<compile_context>
chip_gen: v7x
topology: tpu7x:2x2x1
jax: 0.10.2.dev20260603
libtpu: 0.0.44.dev20260713+nightly
codegen_flags: <defaults>
</compile_context>

<pallas_src>
import functools

import jax
import jax.numpy as jnp
from jax import lax
from jax.experimental import pallas as pl
from jax.experimental.pallas import tpu as pltpu
from jax.experimental.pallas import tpu_sc as plsc

NUM_FIELDS = 26
VOCAB = 100000
EMB_DIM = 32
BATCH = 16384

NC, NS, L = 2, 16, 16
ROWS = NUM_FIELDS * EMB_DIM
ROWS_SC = ROWS // NC
NSB = ROWS_SC // NS
QB = BATCH // 4
UNROLL = 16

_mesh = plsc.VectorSubcoreMesh(
    core_axis_name="c", subcore_axis_name="s",
    num_cores=NC, num_subcores=NS)


@functools.partial(
    pl.kernel,
    out_type=jax.ShapeDtypeStruct((ROWS, BATCH), jnp.float32),
    mesh=_mesh,
    compiler_params=pltpu.CompilerParams(
        use_tc_tiling_on_sc=True, needs_layout_passes=False),
    scratch_types=[
        pltpu.VMEM((VOCAB,), jnp.float32),
        pltpu.VMEM((QB,), jnp.int32),
        pltpu.VMEM((QB,), jnp.int32),
        pltpu.VMEM((QB,), jnp.float32),
        pltpu.VMEM((QB,), jnp.float32),
        pltpu.SemaphoreType.DMA,
        pltpu.SemaphoreType.DMA,
        pltpu.SemaphoreType.DMA,
        pltpu.SemaphoreType.DMA,
    ],
)
def _embed_gather(xt_hbm, tbl_hbm, out_hbm,
                  row_v, i0, i1, o0, o1, si0, si1, so0, so1):
    cid = lax.axis_index("c")
    tid = lax.axis_index("s")
    j_sc = cid * ROWS_SC
    ibufs = (i0, i1)
    isems = (si0, si1)
    obufs = (o0, o1)
    osems = (so0, so1)

    def idesc(f, q, p):
        return pltpu.make_async_copy(
            xt_hbm.at[f, pl.ds(q * QB, QB)], ibufs[p], isems[p])

    def odesc(j, q, p):
        return pltpu.make_async_copy(
            obufs[p], out_hbm.at[j, pl.ds(q * QB, QB)], osems[p])

    idesc((j_sc + tid) >> 5, 0, 0).start()

    def super_band(k, carry):
        j = j_sc + k * NS + tid
        f = j >> 5
        pltpu.sync_copy(tbl_hbm.at[j], row_v)

        for q in range(4):
            p = q & 1
            idesc(f, q, p).wait()
            ob = obufs[p]

            @pl.when(jnp.logical_or(k > 0, q >= 2))
            def _():
                odesc(j, q, p).wait()

            if q < 3:
                idesc(f, q + 1, (q + 1) & 1).start()
            else:
                @pl.when(k < NSB - 1)
                def _():
                    idesc((j + NS) >> 5, 0, 0).start()

            iv = ibufs[p]

            def gather(s, c2):
                base = s * (L * UNROLL)
                for u in range(UNROLL):
                    sl = pl.ds(base + u * L, L)
                    ob[sl] = plsc.load_gather(row_v, [iv[sl]])
                return c2
            lax.fori_loop(0, QB // (L * UNROLL), gather, 0)
            odesc(j, q, p).start()
        return carry
    lax.fori_loop(0, NSB, super_band, 0)

    j_last = j_sc + (NSB - 1) * NS + tid
    for q in (2, 3):
        odesc(j_last, q, q & 1).wait()


def kernel(x, tables):
    tbl_t = tables.transpose(0, 2, 1).reshape(ROWS, VOCAB)
    xt = x.T
    out_t = _embed_gather(xt, tbl_t)
    return out_t.T.reshape(BATCH, NUM_FIELDS * EMB_DIM)

# --- scband reference (transcript-rebuilt; emitter-appended) ---
"""Pipeline reference for scband-embedding-layer-45097156608061 (READ-ONLY COPY).

The authoritative reference and input builder live on the scoring server;
editing this copy changes nothing except your own understanding.
"""

import jax, jax.numpy as jnp
import numpy as np

NUM_FIELDS = 26
VOCAB = 100000
EMB_DIM = 32
BATCH = 16384


def setup_inputs(seed: int = 0) -> dict:
    key = jax.random.key(seed)
    k1, k2 = jax.random.split(key)
    x = jax.random.randint(k1, (BATCH, NUM_FIELDS), 0, VOCAB, dtype=jnp.int32)
    # All 26 embedding tables have identical (in_sz, out_sz), so stack them
    # into a single [NUM_FIELDS, VOCAB, EMB_DIM] parameter tensor.
    tables = jax.random.normal(k2, (NUM_FIELDS, VOCAB, EMB_DIM), dtype=jnp.float32) * 0.02
    return {"x": x, "tables": tables}


def reference(x, tables):
    # Faithful translation of EmbeddingLayer.forward:
    # embed each feature column with its own table, then concatenate on last dim.
    outs = [jnp.take(tables[i], x[..., i], axis=0) for i in range(NUM_FIELDS)]
    return jnp.concatenate(outs, axis=-1)

if __name__ == "__main__":
    import jax
    _d = setup_inputs()
    print(jax.jit(kernel)(*tuple(_d.values())))

</pallas_src>

<mosaic_0001>
#map = affine_map<(d0, d1) -> (0, 0)>
module attributes {stable_mosaic.version = 14 : i64} {
  func.func @_embed_gather(%arg0: i32, %arg1: i32, %arg2: memref<26x16384xi32, #tpu.memory_space<hbm>>, %arg3: memref<832x100000xf32, #tpu.memory_space<hbm>>, %arg4: memref<832x16384xf32, #tpu.memory_space<hbm>>, %arg5: memref<100000xf32, #tpu.memory_space<vmem>>, %arg6: memref<4096xi32, #tpu.memory_space<vmem>>, %arg7: memref<4096xi32, #tpu.memory_space<vmem>>, %arg8: memref<4096xf32, #tpu.memory_space<vmem>>, %arg9: memref<4096xf32, #tpu.memory_space<vmem>>, %arg10: memref<!tpu.dma_semaphore, #tpu.memory_space<semaphore_mem>>, %arg11: memref<!tpu.dma_semaphore, #tpu.memory_space<semaphore_mem>>, %arg12: memref<!tpu.dma_semaphore, #tpu.memory_space<semaphore_mem>>, %arg13: memref<!tpu.dma_semaphore, #tpu.memory_space<semaphore_mem>>) attributes {dimension_semantics = [#tpu.dimension_semantics<core_parallel>, #tpu.dimension_semantics<subcore_parallel>], iteration_bounds = array<i64: 2, 16>, scalar_prefetch = 0 : i64, scratch_operands = 9 : i64, tpu.core_type = #tpu.core_type<sc_vector_subcore>, window_params = [{transform_indices = #map}, {transform_indices = #map}, {transform_indices = #map}]} {
    %mul3A = arith.constant 416 : i32
    %mul3A_0 = arith.muli %arg0, %mul3A : i32
    %add3A = arith.addi %mul3A_0, %arg1 : i32
    %shift_right_arithmetic3A = arith.constant 5 : i32
    %shift_right_arithmetic3A_1 = arith.shrsi %add3A, %shift_right_arithmetic3A : i32
    %dma_start3A = arith.constant 0 : i32
    %dma_start3A_2 = tpu.memref_slice %arg2[%shift_right_arithmetic3A_1, %dma_start3A] : memref<26x16384xi32, #tpu.memory_space<hbm>> -> memref<1x4096xi32, #tpu.memory_space<hbm>>
    %dma_start3A_3 = tpu.memref_squeeze %dma_start3A_2 : memref<1x4096xi32, #tpu.memory_space<hbm>> -> memref<4096xi32, #tpu.memory_space<hbm>>
    %dma_start3A_4 = arith.constant 0 : i32
    %dma_start3A_5 = tpu.memref_slice %arg2[%shift_right_arithmetic3A_1, %dma_start3A_4] : memref<26x16384xi32, #tpu.memory_space<hbm>> -> memref<1x4096xi32, #tpu.memory_space<hbm>>
    %dma_start3A_6 = tpu.memref_squeeze %dma_start3A_5 : memref<1x4096xi32, #tpu.memory_space<hbm>> -> memref<4096xi32, #tpu.memory_space<hbm>>
    tpu.enqueue_dma source(%dma_start3A_6 : memref<4096xi32, #tpu.memory_space<hbm>>) target(%arg6 : memref<4096xi32, #tpu.memory_space<vmem>>) target_semaphore(%arg10 : memref<!tpu.dma_semaphore, #tpu.memory_space<semaphore_mem>>)
    %scan3A = arith.constant 0 : i32
    %scan3A_7 = arith.constant 0 : i32
    %scan3A_8 = arith.constant 26 : i32
    %scan3A_9 = arith.addi %scan3A_7, %scan3A_8 : i32
    %scan3A_10 = arith.constant 1 : i32
    scf.for %scan3A_26 = %scan3A_7 to %scan3A_9 step %scan3A_10  : i32 {
      %mul3A_27 = arith.constant 16 : i32
      %mul3A_28 = arith.muli %scan3A_26, %mul3A_27 : i32
      %add3A_29 = arith.addi %mul3A_0, %mul3A_28 : i32
      %add3A_30 = arith.addi %add3A_29, %arg1 : i32
      %shift_right_arithmetic3A_31 = arith.constant 5 : i32
      %shift_right_arithmetic3A_32 = arith.shrsi %add3A_30, %shift_right_arithmetic3A_31 : i32
      "tpu.region"() ({
        %run_scoped3A = tpu.sem_alloc : memref<!tpu.dma_semaphore, #tpu.memory_space<semaphore_mem>>
        %dma_start3A_151 = arith.constant 0 : i32
        %dma_start3A_152 = tpu.memref_slice %arg3[%add3A_30, %dma_start3A_151] : memref<832x100000xf32, #tpu.memory_space<hbm>> -> memref<1x100000xf32, #tpu.memory_space<hbm>>
        %dma_start3A_153 = tpu.memref_squeeze %dma_start3A_152 : memref<1x100000xf32, #tpu.memory_space<hbm>> -> memref<100000xf32, #tpu.memory_space<hbm>>
        %dma_start3A_154 = arith.constant 0 : i32
        %dma_start3A_155 = tpu.memref_slice %arg3[%add3A_30, %dma_start3A_154] : memref<832x100000xf32, #tpu.memory_space<hbm>> -> memref<1x100000xf32, #tpu.memory_space<hbm>>
        %dma_start3A_156 = tpu.memref_squeeze %dma_start3A_155 : memref<1x100000xf32, #tpu.memory_space<hbm>> -> memref<100000xf32, #tpu.memory_space<hbm>>
        tpu.enqueue_dma source(%dma_start3A_156 : memref<100000xf32, #tpu.memory_space<hbm>>) target(%arg5 : memref<100000xf32, #tpu.memory_space<vmem>>) target_semaphore(%run_scoped3A : memref<!tpu.dma_semaphore, #tpu.memory_space<semaphore_mem>>)
        %dma_wait3A_157 = arith.constant 0 : i32
        %dma_wait3A_158 = tpu.memref_slice %arg3[%add3A_30, %dma_wait3A_157] : memref<832x100000xf32, #tpu.memory_space<hbm>> -> memref<1x100000xf32, #tpu.memory_space<hbm>>
        %dma_wait3A_159 = tpu.memref_squeeze %dma_wait3A_158 : memref<1x100000xf32, #tpu.memory_space<hbm>> -> memref<100000xf32, #tpu.memory_space<hbm>>
        %dma_wait3A_160 = arith.constant 0 : i32
        %dma_wait3A_161 = tpu.memref_slice %arg3[%add3A_30, %dma_wait3A_160] : memref<832x100000xf32, #tpu.memory_space<hbm>> -> memref<1x100000xf32, #tpu.memory_space<hbm>>
        %dma_wait3A_162 = tpu.memref_squeeze %dma_wait3A_161 : memref<1x100000xf32, #tpu.memory_space<hbm>> -> memref<100000xf32, #tpu.memory_space<hbm>>
        tpu.wait_dma2 semaphore(%run_scoped3A : memref<!tpu.dma_semaphore, #tpu.memory_space<semaphore_mem>>) src(%dma_wait3A_162 : memref<100000xf32, #tpu.memory_space<hbm>>) dst(%arg5 : memref<100000xf32, #tpu.memory_space<vmem>>)
        tpu.yield
      }) : () -> ()
      %dma_wait3A_33 = arith.constant 0 : i32
      %dma_wait3A_34 = tpu.memref_slice %arg2[%shift_right_arithmetic3A_32, %dma_wait3A_33] : memref<26x16384xi32, #tpu.memory_space<hbm>> -> memref<1x4096xi32, #tpu.memory_space<hbm>>
      %dma_wait3A_35 = tpu.memref_squeeze %dma_wait3A_34 : memref<1x4096xi32, #tpu.memory_space<hbm>> -> memref<4096xi32, #tpu.memory_space<hbm>>
      %dma_wait3A_36 = arith.constant 0 : i32
      %dma_wait3A_37 = tpu.memref_slice %arg2[%shift_right_arithmetic3A_32, %dma_wait3A_36] : memref<26x16384xi32, #tpu.memory_space<hbm>> -> memref<1x4096xi32, #tpu.memory_space<hbm>>
      %dma_wait3A_38 = tpu.memref_squeeze %dma_wait3A_37 : memref<1x4096xi32, #tpu.memory_space<hbm>> -> memref<4096xi32, #tpu.memory_space<hbm>>
      tpu.wait_dma2 semaphore(%arg10 : memref<!tpu.dma_semaphore, #tpu.memory_space<semaphore_mem>>) src(%dma_wait3A_38 : memref<4096xi32, #tpu.memory_space<hbm>>) dst(%arg6 : memref<4096xi32, #tpu.memory_space<vmem>>)
      %gt3A = arith.constant 0 : i32
      %gt3A_39 = arith.cmpi sgt, %scan3A_26, %gt3A : i32
      %or3A = arith.constant false
      %or3A_40 = arith.ori %gt3A_39, %or3A : i1
      %convert_element_type3A = arith.extui %or3A_40 : i1 to i32
      %cond3A = arith.constant 0 : i32
      %cond3A_41 = arith.cmpi ne, %convert_element_type3A, %cond3A : i32
      scf.if %cond3A_41 {
        %dma_wait3A_151 = arith.constant 0 : i32
        %dma_wait3A_152 = tpu.memref_slice %arg4[%add3A_30, %dma_wait3A_151] : memref<832x16384xf32, #tpu.memory_space<hbm>> -> memref<1x4096xf32, #tpu.memory_space<hbm>>
        %dma_wait3A_153 = tpu.memref_squeeze %dma_wait3A_152 : memref<1x4096xf32, #tpu.memory_space<hbm>> -> memref<4096xf32, #tpu.memory_space<hbm>>
        %dma_wait3A_154 = arith.constant 0 : i32
        %dma_wait3A_155 = tpu.memref_slice %arg4[%add3A_30, %dma_wait3A_154] : memref<832x16384xf32, #tpu.memory_space<hbm>> -> memref<1x4096xf32, #tpu.memory_space<hbm>>
        %dma_wait3A_156 = tpu.memref_squeeze %dma_wait3A_155 : memref<1x4096xf32, #tpu.memory_space<hbm>> -> memref<4096xf32, #tpu.memory_space<hbm>>
        tpu.wait_dma2 semaphore(%arg12 : memref<!tpu.dma_semaphore, #tpu.memory_space<semaphore_mem>>) src(%arg8 : memref<4096xf32, #tpu.memory_space<vmem>>) dst(%dma_wait3A_156 : memref<4096xf32, #tpu.memory_space<hbm>>)
      } else {
      }
      %dma_start3A_42 = arith.constant 4096 : i32
      %dma_start3A_43 = tpu.memref_slice %arg2[%shift_right_arithmetic3A_32, %dma_start3A_42] : memref<26x16384xi32, #tpu.memory_space<hbm>> -> memref<1x4096xi32, #tpu.memory_space<hbm>>
      %dma_start3A_44 = tpu.memref_squeeze %dma_start3A_43 : memref<1x4096xi32, #tpu.memory_space<hbm>> -> memref<4096xi32, #tpu.memory_space<hbm>>
      %dma_start3A_45 = arith.constant 4096 : i32
      %dma_start3A_46 = tpu.memref_slice %arg2[%shift_right_arithmetic3A_32, %dma_start3A_45] : memref<26x16384xi32, #tpu.memory_space<hbm>> -> memref<1x4096xi32, #tpu.memory_space<hbm>>
      %dma_start3A_47 = tpu.memref_squeeze %dma_start3A_46 : memref<1x4096xi32, #tpu.memory_space<hbm>> -> memref<4096xi32, #tpu.memory_space<hbm>>
      tpu.enqueue_dma source(%dma_start3A_47 : memref<4096xi32, #tpu.memory_space<hbm>>) target(%arg7 : memref<4096xi32, #tpu.memory_space<vmem>>) target_semaphore(%arg11 : memref<!tpu.dma_semaphore, #tpu.memory_space<semaphore_mem>>)
      %scan3A_48 = arith.constant 0 : i32
      %scan3A_49 = arith.constant 0 : i32
      %scan3A_50 = arith.constant 16 : i32
      %scan3A_51 = arith.addi %scan3A_49, %scan3A_50 : i32
      %scan3A_52 = arith.constant 1 : i32
      scf.for %scan3A_151 = %scan3A_49 to %scan3A_51 step %scan3A_52  : i32 {
        %mul3A_152 = arith.constant 256 : i32
        %mul3A_153 = arith.muli %scan3A_151, %mul3A_152 : i32
        %add3A_154 = arith.constant 0 : i32
        %add3A_155 = arith.addi %mul3A_153, %add3A_154 : i32
        %get3A = arith.index_cast %add3A_155 : i32 to index
        %get3A_156 = tpu.vector_load %arg6[%get3A] {strides = array<i32>} : memref<4096xi32, #tpu.memory_space<vmem>>, vector<16xi32>,
        %gather3A = tpu.vector_load_idx %arg5[%get3A_156] : memref<100000xf32, #tpu.memory_space<vmem>>[vector<16xi32>], vector<16xf32>,
        %swap3A = arith.index_cast %add3A_155 : i32 to index
        %swap3A_157 = tpu.vector_load %arg8[%swap3A] {strides = array<i32>} : memref<4096xf32, #tpu.memory_space<vmem>>, vector<16xf32>,
        tpu.vector_store %arg8[%swap3A], %gather3A {strides = array<i32>} : memref<4096xf32, #tpu.memory_space<vmem>>, vector<16xf32>,
        %add3A_158 = arith.constant 16 : i32
        %add3A_159 = arith.addi %mul3A_153, %add3A_158 : i32
        %get3A_160 = arith.index_cast %add3A_159 : i32 to index
        %get3A_161 = tpu.vector_load %arg6[%get3A_160] {strides = array<i32>} : memref<4096xi32, #tpu.memory_space<vmem>>, vector<16xi32>,
        %gather3A_162 = tpu.vector_load_idx %arg5[%get3A_161] : memref<100000xf32, #tpu.memory_space<vmem>>[vector<16xi32>], vector<16xf32>,
        %swap3A_163 = arith.index_cast %add3A_159 : i32 to index
        %swap3A_164 = tpu.vector_load %arg8[%swap3A_163] {strides = array<i32>} : memref<4096xf32, #tpu.memory_space<vmem>>, vector<16xf32>,
        tpu.vector_store %arg8[%swap3A_163], %gather3A_162 {strides = array<i32>} : memref<4096xf32, #tpu.memory_space<vmem>>, vector<16xf32>,
        %add3A_165 = arith.constant 32 : i32
        %add3A_166 = arith.addi %mul3A_153, %add3A_165 : i32
        %get3A_167 = arith.index_cast %add3A_166 : i32 to index
        %get3A_168 = tpu.vector_load %arg6[%get3A_167] {strides = array<i32>} : memref<4096xi32, #tpu.memory_space<vmem>>, vector<16xi32>,
        %gather3A_169 = tpu.vector_load_idx %arg5[%get3A_168] : memref<100000xf32, #tpu.memory_space<vmem>>[vector<16xi32>], vector<16xf32>,
        %swap3A_170 = arith.index_cast %add3A_166 : i32 to index
        %swap3A_171 = tpu.vector_load %arg8[%swap3A_170] {strides = array<i32>} : memref<4096xf32, #tpu.memory_space<vmem>>, vector<16xf32>,
        tpu.vector_store %arg8[%swap3A_170], %gather3A_169 {strides = array<i32>} : memref<4096xf32, #tpu.memory_space<vmem>>, vector<16xf32>,
        %add3A_172 = arith.constant 48 : i32
        %add3A_173 = arith.addi %mul3A_153, %add3A_172 : i32
        %get3A_174 = arith.index_cast %add3A_173 : i32 to index
        %get3A_175 = tpu.vector_load %arg6[%get3A_174] {strides = array<i32>} : memref<4096xi32, #tpu.memory_space<vmem>>, vector<16xi32>,
        %gather3A_176 = tpu.vector_load_idx %arg5[%get3A_175] : memref<100000xf32, #tpu.memory_space<vmem>>[vector<16xi32>], vector<16xf32>,
        %swap3A_177 = arith.index_cast %add3A_173 : i32 to index
        %swap3A_178 = tpu.vector_load %arg8[%swap3A_177] {strides = array<i32>} : memref<4096xf32, #tpu.memory_space<vmem>>, vector<16xf32>,
        tpu.vector_store %arg8[%swap3A_177], %gather3A_176 {strides = array<i32>} : memref<4096xf32, #tpu.memory_space<vmem>>, vector<16xf32>,
        %add3A_179 = arith.constant 64 : i32
        %add3A_180 = arith.addi %mul3A_153, %add3A_179 : i32
        %get3A_181 = arith.index_cast %add3A_180 : i32 to index
        %get3A_182 = tpu.vector_load %arg6[%get3A_181] {strides = array<i32>} : memref<4096xi32, #tpu.memory_space<vmem>>, vector<16xi32>,
        %gather3A_183 = tpu.vector_load_idx %arg5[%get3A_182] : memref<100000xf32, #tpu.memory_space<vmem>>[vector<16xi32>], vector<16xf32>,
        %swap3A_184 = arith.index_cast %add3A_180 : i32 to index
        %swap3A_185 = tpu.vector_load %arg8[%swap3A_184] {strides = array<i32>} : memref<4096xf32, #tpu.memory_space<vmem>>, vector<16xf32>,
        tpu.vector_store %arg8[%swap3A_184], %gather3A_183 {strides = array<i32>} : memref<4096xf32, #tpu.memory_space<vmem>>, vector<16xf32>,
        %add3A_186 = arith.constant 80 : i32
        %add3A_187 = arith.addi %mul3A_153, %add3A_186 : i32
        %get3A_188 = arith.index_cast %add3A_187 : i32 to index
        %get3A_189 = tpu.vector_load %arg6[%get3A_188] {strides = array<i32>} : memref<4096xi32, #tpu.memory_space<vmem>>, vector<16xi32>,
        %gather3A_190 = tpu.vector_load_idx %arg5[%get3A_189] : memref<100000xf32, #tpu.memory_space<vmem>>[vector<16xi32>], vector<16xf32>,
        %swap3A_191 = arith.index_cast %add3A_187 : i32 to index
        %swap3A_192 = tpu.vector_load %arg8[%swap3A_191] {strides = array<i32>} : memref<4096xf32, #tpu.memory_space<vmem>>, vector<16xf32>,
        tpu.vector_store %arg8[%swap3A_191], %gather3A_190 {strides = array<i32>} : memref<4096xf32, #tpu.memory_space<vmem>>, vector<16xf32>,
        %add3A_193 = arith.constant 96 : i32
        %add3A_194 = arith.addi %mul3A_153, %add3A_193 : i32
        %get3A_195 = arith.index_cast %add3A_194 : i32 to index
        %get3A_196 = tpu.vector_load %arg6[%get3A_195] {strides = array<i32>} : memref<4096xi32, #tpu.memory_space<vmem>>, vector<16xi32>,
        %gather3A_197 = tpu.vector_load_idx %arg5[%get3A_196] : memref<100000xf32, #tpu.memory_space<vmem>>[vector<16xi32>], vector<16xf32>,
        %swap3A_198 = arith.index_cast %add3A_194 : i32 to index
        %swap3A_199 = tpu.vector_load %arg8[%swap3A_198] {strides = array<i32>} : memref<4096xf32, #tpu.memory_space<vmem>>, vector<16xf32>,
        tpu.vector_store %arg8[%swap3A_198], %gather3A_197 {strides = array<i32>} : memref<4096xf32, #tpu.memory_space<vmem>>, vector<16xf32>,
        %add3A_200 = arith.constant 112 : i32
        %add3A_201 = arith.addi %mul3A_153, %add3A_200 : i32
        %get3A_202 = arith.index_cast %add3A_201 : i32 to index
        %get3A_203 = tpu.vector_load %arg6[%get3A_202] {strides = array<i32>} : memref<4096xi32, #tpu.memory_space<vmem>>, vector<16xi32>,
        %gather3A_204 = tpu.vector_load_idx %arg5[%get3A_203] : memref<100000xf32, #tpu.memory_space<vmem>>[vector<16xi32>], vector<16xf32>,
        %swap3A_205 = arith.index_cast %add3A_201 : i32 to index
        %swap3A_206 = tpu.vector_load %arg8[%swap3A_205] {strides = array<i32>} : memref<4096xf32, #tpu.memory_space<vmem>>, vector<16xf32>,
        tpu.vector_store %arg8[%swap3A_205], %gather3A_204 {strides = array<i32>} : memref<4096xf32, #tpu.memory_space<vmem>>, vector<16xf32>,
        %add3A_207 = arith.constant 128 : i32
        %add3A_208 = arith.addi %mul3A_153, %add3A_207 : i32
        %get3A_209 = arith.index_cast %add3A_208 : i32 to index
        %get3A_210 = tpu.vector_load %arg6[%get3A_209] {strides = array<i32>} : memref<4096xi32, #tpu.memory_space<vmem>>, vector<16xi32>,
        %gather3A_211 = tpu.vector_load_idx %arg5[%get3A_210] : memref<100000xf32, #tpu.memory_space<vmem>>[vector<16xi32>], vector<16xf32>,
        %swap3A_212 = arith.index_cast %add3A_208 : i32 to index
        %swap3A_213 = tpu.vector_load %arg8[%swap3A_212] {strides = array<i32>} : memref<4096xf32, #tpu.memory_space<vmem>>, vector<16xf32>,
        tpu.vector_store %arg8[%swap3A_212], %gather3A_211 {strides = array<i32>} : memref<4096xf32, #tpu.memory_space<vmem>>, vector<16xf32>,
        %add3A_214 = arith.constant 144 : i32
        %add3A_215 = arith.addi %mul3A_153, %add3A_214 : i32
        %get3A_216 = arith.index_cast %add3A_215 : i32 to index
        %get3A_217 = tpu.vector_load %arg6[%get3A_216] {strides = array<i32>} : memref<4096xi32, #tpu.memory_space<vmem>>, vector<16xi32>,
        %gather3A_218 = tpu.vector_load_idx %arg5[%get3A_217] : memref<100000xf32, #tpu.memory_space<vmem>>[vector<16xi32>], vector<16xf32>,
        %swap3A_219 = arith.index_cast %add3A_215 : i32 to index
        %swap3A_220 = tpu.vector_load %arg8[%swap3A_219] {strides = array<i32>} : memref<4096xf32, #tpu.memory_space<vmem>>, vector<16xf32>,
        tpu.vector_store %arg8[%swap3A_219], %gather3A_218 {strides = array<i32>} : memref<4096xf32, #tpu.memory_space<vmem>>, vector<16xf32>,
        %add3A_221 = arith.constant 160 : i32
        %add3A_222 = arith.addi %mul3A_153, %add3A_221 : i32
        %get3A_223 = arith.index_cast %add3A_222 : i32 to index
        %get3A_224 = tpu.vector_load %arg6[%get3A_223] {strides = array<i32>} : memref<4096xi32, #tpu.memory_space<vmem>>, vector<16xi32>,
        %gather3A_225 = tpu.vector_load_idx %arg5[%get3A_224] : memref<100000xf32, #tpu.memory_space<vmem>>[vector<16xi32>], vector<16xf32>,
        %swap3A_226 = arith.index_cast %add3A_222 : i32 to index
        %swap3A_227 = tpu.vector_load %arg8[%swap3A_226] {strides = array<i32>} : memref<4096xf32, #tpu.memory_space<vmem>>, vector<16xf32>,
        tpu.vector_store %arg8[%swap3A_226], %gather3A_225 {strides = array<i32>} : memref<4096xf32, #tpu.memory_space<vmem>>, vector<16xf32>,
        %add3A_228 = arith.constant 176 : i32
        %add3A_229 = arith.addi %mul3A_153, %add3A_228 : i32
        %get3A_230 = arith.index_cast %add3A_229 : i32 to index
        %get3A_231 = tpu.vector_load %arg6[%get3A_230] {strides = array<i32>} : memref<4096xi32, #tpu.memory_space<vmem>>, vector<16xi32>,
        %gather3A_232 = tpu.vector_load_idx %arg5[%get3A_231] : memref<100000xf32, #tpu.memory_space<vmem>>[vector<16xi32>], vector<16xf32>,
        %swap3A_233 = arith.index_cast %add3A_229 : i32 to index
        %swap3A_234 = tpu.vector_load %arg8[%swap3A_233] {strides = array<i32>} : memref<4096xf32, #tpu.memory_space<vmem>>, vector<16xf32>,
        tpu.vector_store %arg8[%swap3A_233], %gather3A_232 {strides = array<i32>} : memref<4096xf32, #tpu.memory_space<vmem>>, vector<16xf32>,
        %add3A_235 = arith.constant 192 : i32
        %add3A_236 = arith.addi %mul3A_153, %add3A_235 : i32
        %get3A_237 = arith.index_cast %add3A_236 : i32 to index
        %get3A_238 = tpu.vector_load %arg6[%get3A_237] {strides = array<i32>} : memref<4096xi32, #tpu.memory_space<vmem>>, vector<16xi32>,
        %gather3A_239 = tpu.vector_load_idx %arg5[%get3A_238] : memref<100000xf32, #tpu.memory_space<vmem>>[vector<16xi32>], vector<16xf32>,
        %swap3A_240 = arith.index_cast %add3A_236 : i32 to index
        %swap3A_241 = tpu.vector_load %arg8[%swap3A_240] {strides = array<i32>} : memref<4096xf32, #tpu.memory_space<vmem>>, vector<16xf32>,
        tpu.vector_store %arg8[%swap3A_240], %gather3A_239 {strides = array<i32>} : memref<4096xf32, #tpu.memory_space<vmem>>, vector<16xf32>,
        %add3A_242 = arith.constant 208 : i32
        %add3A_243 = arith.addi %mul3A_153, %add3A_242 : i32
        %get3A_244 = arith.index_cast %add3A_243 : i32 to index
        %get3A_245 = tpu.vector_load %arg6[%get3A_244] {strides = array<i32>} : memref<4096xi32, #tpu.memory_space<vmem>>, vector<16xi32>,
        %gather3A_246 = tpu.vector_load_idx %arg5[%get3A_245] : memref<100000xf32, #tpu.memory_space<vmem>>[vector<16xi32>], vector<16xf32>,
        %swap3A_247 = arith.index_cast %add3A_243 : i32 to index
        %swap3A_248 = tpu.vector_load %arg8[%swap3A_247] {strides = array<i32>} : memref<4096xf32, #tpu.memory_space<vmem>>, vector<16xf32>,
        tpu.vector_store %arg8[%swap3A_247], %gather3A_246 {strides = array<i32>} : memref<4096xf32, #tpu.memory_space<vmem>>, vector<16xf32>,
        %add3A_249 = arith.constant 224 : i32
        %add3A_250 = arith.addi %mul3A_153, %add3A_249 : i32
        %get3A_251 = arith.index_cast %add3A_250 : i32 to index
        %get3A_252 = tpu.vector_load %arg6[%get3A_251] {strides = array<i32>} : memref<4096xi32, #tpu.memory_space<vmem>>, vector<16xi32>,
        %gather3A_253 = tpu.vector_load_idx %arg5[%get3A_252] : memref<100000xf32, #tpu.memory_space<vmem>>[vector<16xi32>], vector<16xf32>,
        %swap3A_254 = arith.index_cast %add3A_250 : i32 to index
        %swap3A_255 = tpu.vector_load %arg8[%swap3A_254] {strides = array<i32>} : memref<4096xf32, #tpu.memory_space<vmem>>, vector<16xf32>,
        tpu.vector_store %arg8[%swap3A_254], %gather3A_253 {strides = array<i32>} : memref<4096xf32, #tpu.memory_space<vmem>>, vector<16xf32>,
        %add3A_256 = arith.constant 240 : i32
        %add3A_257 = arith.addi %mul3A_153, %add3A_256 : i32
        %get3A_258 = arith.index_cast %add3A_257 : i32 to index
        %get3A_259 = tpu.vector_load %arg6[%get3A_258] {strides = array<i32>} : memref<4096xi32, #tpu.memory_space<vmem>>, vector<16xi32>,
        %gather3A_260 = tpu.vector_load_idx %arg5[%get3A_259] : memref<100000xf32, #tpu.memory_space<vmem>>[vector<16xi32>], vector<16xf32>,
        %swap3A_261 = arith.index_cast %add3A_257 : i32 to index
        %swap3A_262 = tpu.vector_load %arg8[%swap3A_261] {strides = array<i32>} : memref<4096xf32, #tpu.memory_space<vmem>>, vector<16xf32>,
        tpu.vector_store %arg8[%swap3A_261], %gather3A_260 {strides = array<i32>} : memref<4096xf32, #tpu.memory_space<vmem>>, vector<16xf32>,
      }
      %scan3A_53 = arith.constant 16 : i32
      %dma_start3A_54 = arith.constant 0 : i32
      %dma_start3A_55 = tpu.memref_slice %arg4[%add3A_30, %dma_start3A_54] : memref<832x16384xf32, #tpu.memory_space<hbm>> -> memref<1x4096xf32, #tpu.memory_space<hbm>>
      %dma_start3A_56 = tpu.memref_squeeze %dma_start3A_55 : memref<1x4096xf32, #tpu.memory_space<hbm>> -> memref<4096xf32, #tpu.memory_space<hbm>>
      %dma_start3A_57 = arith.constant 0 : i32
      %dma_start3A_58 = tpu.memref_slice %arg4[%add3A_30, %dma_start3A_57] : memref<832x16384xf32, #tpu.memory_space<hbm>> -> memref<1x4096xf32, #tpu.memory_space<hbm>>
      %dma_start3A_59 = tpu.memref_squeeze %dma_start3A_58 : memref<1x4096xf32, #tpu.memory_space<hbm>> -> memref<4096xf32, #tpu.memory_space<hbm>>
      tpu.enqueue_dma source(%arg8 : memref<4096xf32, #tpu.memory_space<vmem>>) target(%dma_start3A_59 : memref<4096xf32, #tpu.memory_space<hbm>>) target_semaphore(%arg12 : memref<!tpu.dma_semaphore, #tpu.memory_space<semaphore_mem>>)
      %dma_wait3A_60 = arith.constant 4096 : i32
      %dma_wait3A_61 = tpu.memref_slice %arg2[%shift_right_arithmetic3A_32, %dma_wait3A_60] : memref<26x16384xi32, #tpu.memory_space<hbm>> -> memref<1x4096xi32, #tpu.memory_space<hbm>>
      %dma_wait3A_62 = tpu.memref_squeeze %dma_wait3A_61 : memref<1x4096xi32, #tpu.memory_space<hbm>> -> memref<4096xi32, #tpu.memory_space<hbm>>
      %dma_wait3A_63 = arith.constant 4096 : i32
      %dma_wait3A_64 = tpu.memref_slice %arg2[%shift_right_arithmetic3A_32, %dma_wait3A_63] : memref<26x16384xi32, #tpu.memory_space<hbm>> -> memref<1x4096xi32, #tpu.memory_space<hbm>>
      %dma_wait3A_65 = tpu.memref_squeeze %dma_wait3A_64 : memref<1x4096xi32, #tpu.memory_space<hbm>> -> memref<4096xi32, #tpu.memory_space<hbm>>
      tpu.wait_dma2 semaphore(%arg11 : memref<!tpu.dma_semaphore, #tpu.memory_space<semaphore_mem>>) src(%dma_wait3A_65 : memref<4096xi32, #tpu.memory_space<hbm>>) dst(%arg7 : memref<4096xi32, #tpu.memory_space<vmem>>)
      %gt3A_66 = arith.constant 0 : i32
      %gt3A_67 = arith.cmpi sgt, %scan3A_26, %gt3A_66 : i32
      %or3A_68 = arith.constant false
      %or3A_69 = arith.ori %gt3A_67, %or3A_68 : i1
      %convert_element_type3A_70 = arith.extui %or3A_69 : i1 to i32
      %cond3A_71 = arith.constant 0 : i32
      %cond3A_72 = arith.cmpi ne, %convert_element_type3A_70, %cond3A_71 : i32
      scf.if %cond3A_72 {
        %dma_wait3A_151 = arith.constant 4096 : i32
        %dma_wait3A_152 = tpu.memref_slice %arg4[%add3A_30, %dma_wait3A_151] : memref<832x16384xf32, #tpu.memory_space<hbm>> -> memref<1x4096xf32, #tpu.memory_space<hbm>>
        %dma_wait3A_153 = tpu.memref_squeeze %dma_wait3A_152 : memref<1x4096xf32, #tpu.memory_space<hbm>> -> memref<4096xf32, #tpu.memory_space<hbm>>
        %dma_wait3A_154 = arith.constant 4096 : i32
        %dma_wait3A_155 = tpu.memref_slice %arg4[%add3A_30, %dma_wait3A_154] : memref<832x16384xf32, #tpu.memory_space<hbm>> -> memref<1x4096xf32, #tpu.memory_space<hbm>>
        %dma_wait3A_156 = tpu.memref_squeeze %dma_wait3A_155 : memref<1x4096xf32, #tpu.memory_space<hbm>> -> memref<4096xf32, #tpu.memory_space<hbm>>
        tpu.wait_dma2 semaphore(%arg13 : memref<!tpu.dma_semaphore, #tpu.memory_space<semaphore_mem>>) src(%arg9 : memref<4096xf32, #tpu.memory_space<vmem>>) dst(%dma_wait3A_156 : memref<4096xf32, #tpu.memory_space<hbm>>)
      } else {
      }
      %dma_start3A_73 = arith.constant 8192 : i32
      %dma_start3A_74 = tpu.memref_slice %arg2[%shift_right_arithmetic3A_32, %dma_start3A_73] : memref<26x16384xi32, #tpu.memory_space<hbm>> -> memref<1x4096xi32, #tpu.memory_space<hbm>>
      %dma_start3A_75 = tpu.memref_squeeze %dma_start3A_74 : memref<1x4096xi32, #tpu.memory_space<hbm>> -> memref<4096xi32, #tpu.memory_space<hbm>>
      %dma_start3A_76 = arith.constant 8192 : i32
      %dma_start3A_77 = tpu.memref_slice %arg2[%shift_right_arithmetic3A_32, %dma_start3A_76] : memref<26x16384xi32, #tpu.memory_space<hbm>> -> memref<1x4096xi32, #tpu.memory_space<hbm>>
      %dma_start3A_78 = tpu.memref_squeeze %dma_start3A_77 : memref<1x4096xi32, #tpu.memory_space<hbm>> -> memref<4096xi32, #tpu.memory_space<hbm>>
      tpu.enqueue_dma source(%dma_start3A_78 : memref<4096xi32, #tpu.memory_space<hbm>>) target(%arg6 : memref<4096xi32, #tpu.memory_space<vmem>>) target_semaphore(%arg10 : memref<!tpu.dma_semaphore, #tpu.memory_space<semaphore_mem>>)
      %scan3A_79 = arith.constant 0 : i32
      %scan3A_80 = arith.constant 0 : i32
      %scan3A_81 = arith.constant 16 : i32
      %scan3A_82 = arith.addi %scan3A_80, %scan3A_81 : i32
      %scan3A_83 = arith.constant 1 : i32
      scf.for %scan3A_151 = %scan3A_80 to %scan3A_82 step %scan3A_83  : i32 {
        %mul3A_152 = arith.constant 256 : i32
        %mul3A_153 = arith.muli %scan3A_151, %mul3A_152 : i32
        %add3A_154 = arith.constant 0 : i32
        %add3A_155 = arith.addi %mul3A_153, %add3A_154 : i32
        %get3A = arith.index_cast %add3A_155 : i32 to index
        %get3A_156 = tpu.vector_load %arg7[%get3A] {strides = array<i32>} : memref<4096xi32, #tpu.memory_space<vmem>>, vector<16xi32>,
        %gather3A = tpu.vector_load_idx %arg5[%get3A_156] : memref<100000xf32, #tpu.memory_space<vmem>>[vector<16xi32>], vector<16xf32>,
        %swap3A = arith.index_cast %add3A_155 : i32 to index
        %swap3A_157 = tpu.vector_load %arg9[%swap3A] {strides = array<i32>} : memref<4096xf32, #tpu.memory_space<vmem>>, vector<16xf32>,
        tpu.vector_store %arg9[%swap3A], %gather3A {strides = array<i32>} : memref<4096xf32, #tpu.memory_space<vmem>>, vector<16xf32>,
        %add3A_158 = arith.constant 16 : i32
        %add3A_159 = arith.addi %mul3A_153, %add3A_158 : i32
        %get3A_160 = arith.index_cast %add3A_159 : i32 to index
        %get3A_161 = tpu.vector_load %arg7[%get3A_160] {strides = array<i32>} : memref<4096xi32, #tpu.memory_space<vmem>>, vector<16xi32>,
        %gather3A_162 = tpu.vector_load_idx %arg5[%get3A_161] : memref<100000xf32, #tpu.memory_space<vmem>>[vector<16xi32>], vector<16xf32>,
        %swap3A_163 = arith.index_cast %add3A_159 : i32 to index
        %swap3A_164 = tpu.vector_load %arg9[%swap3A_163] {strides = array<i32>} : memref<4096xf32, #tpu.memory_space<vmem>>, vector<16xf32>,
        tpu.vector_store %arg9[%swap3A_163], %gather3A_162 {strides = array<i32>} : memref<4096xf32, #tpu.memory_space<vmem>>, vector<16xf32>,
        %add3A_165 = arith.constant 32 : i32
        %add3A_166 = arith.addi %mul3A_153, %add3A_165 : i32
        %get3A_167 = arith.index_cast %add3A_166 : i32 to index
        %get3A_168 = tpu.vector_load %arg7[%get3A_167] {strides = array<i32>} : memref<4096xi32, #tpu.memory_space<vmem>>, vector<16xi32>,
        %gather3A_169 = tpu.vector_load_idx %arg5[%get3A_168] : memref<100000xf32, #tpu.memory_space<vmem>>[vector<16xi32>], vector<16xf32>,
        %swap3A_170 = arith.index_cast %add3A_166 : i32 to index
        %swap3A_171 = tpu.vector_load %arg9[%swap3A_170] {strides = array<i32>} : memref<4096xf32, #tpu.memory_space<vmem>>, vector<16xf32>,
        tpu.vector_store %arg9[%swap3A_170], %gather3A_169 {strides = array<i32>} : memref<4096xf32, #tpu.memory_space<vmem>>, vector<16xf32>,
        %add3A_172 = arith.constant 48 : i32
        %add3A_173 = arith.addi %mul3A_153, %add3A_172 : i32
        %get3A_174 = arith.index_cast %add3A_173 : i32 to index
        %get3A_175 = tpu.vector_load %arg7[%get3A_174] {strides = array<i32>} : memref<4096xi32, #tpu.memory_space<vmem>>, vector<16xi32>,
        %gather3A_176 = tpu.vector_load_idx %arg5[%get3A_175] : memref<100000xf32, #tpu.memory_space<vmem>>[vector<16xi32>], vector<16xf32>,
        %swap3A_177 = arith.index_cast %add3A_173 : i32 to index
        %swap3A_178 = tpu.vector_load %arg9[%swap3A_177] {strides = array<i32>} : memref<4096xf32, #tpu.memory_space<vmem>>, vector<16xf32>,
        tpu.vector_store %arg9[%swap3A_177], %gather3A_176 {strides = array<i32>} : memref<4096xf32, #tpu.memory_space<vmem>>, vector<16xf32>,
        %add3A_179 = arith.constant 64 : i32
        %add3A_180 = arith.addi %mul3A_153, %add3A_179 : i32
        %get3A_181 = arith.index_cast %add3A_180 : i32 to index
        %get3A_182 = tpu.vector_load %arg7[%get3A_181] {strides = array<i32>} : memref<4096xi32, #tpu.memory_space<vmem>>, vector<16xi32>,
        %gather3A_183 = tpu.vector_load_idx %arg5[%get3A_182] : memref<100000xf32, #tpu.memory_space<vmem>>[vector<16xi32>], vector<16xf32>,
        %swap3A_184 = arith.index_cast %add3A_180 : i32 to index
        %swap3A_185 = tpu.vector_load %arg9[%swap3A_184] {strides = array<i32>} : memref<4096xf32, #tpu.memory_space<vmem>>, vector<16xf32>,
        tpu.vector_store %arg9[%swap3A_184], %gather3A_183 {strides = array<i32>} : memref<4096xf32, #tpu.memory_space<vmem>>, vector<16xf32>,
        %add3A_186 = arith.constant 80 : i32
        %add3A_187 = arith.addi %mul3A_153, %add3A_186 : i32
        %get3A_188 = arith.index_cast %add3A_187 : i32 to index
        %get3A_189 = tpu.vector_load %arg7[%get3A_188] {strides = array<i32>} : memref<4096xi32, #tpu.memory_space<vmem>>, vector<16xi32>,
        %gather3A_190 = tpu.vector_load_idx %arg5[%get3A_189] : memref<100000xf32, #tpu.memory_space<vmem>>[vector<16xi32>], vector<16xf32>,
        %swap3A_191 = arith.index_cast %add3A_187 : i32 to index
        %swap3A_192 = tpu.vector_load %arg9[%swap3A_191] {strides = array<i32>} : memref<4096xf32, #tpu.memory_space<vmem>>, vector<16xf32>,
        tpu.vector_store %arg9[%swap3A_191], %gather3A_190 {strides = array<i32>} : memref<4096xf32, #tpu.memory_space<vmem>>, vector<16xf32>,
        %add3A_193 = arith.constant 96 : i32
        %add3A_194 = arith.addi %mul3A_153, %add3A_193 : i32
        %get3A_195 = arith.index_cast %add3A_194 : i32 to index
        %get3A_196 = tpu.vector_load %arg7[%get3A_195] {strides = array<i32>} : memref<4096xi32, #tpu.memory_space<vmem>>, vector<16xi32>,
        %gather3A_197 = tpu.vector_load_idx %arg5[%get3A_196] : memref<100000xf32, #tpu.memory_space<vmem>>[vector<16xi32>], vector<16xf32>,
        %swap3A_198 = arith.index_cast %add3A_194 : i32 to index
        %swap3A_199 = tpu.vector_load %arg9[%swap3A_198] {strides = array<i32>} : memref<4096xf32, #tpu.memory_space<vmem>>, vector<16xf32>,
        tpu.vector_store %arg9[%swap3A_198], %gather3A_197 {strides = array<i32>} : memref<4096xf32, #tpu.memory_space<vmem>>, vector<16xf32>,
        %add3A_200 = arith.constant 112 : i32
        %add3A_201 = arith.addi %mul3A_153, %add3A_200 : i32
        %get3A_202 = arith.index_cast %add3A_201 : i32 to index
        %get3A_203 = tpu.vector_load %arg7[%get3A_202] {strides = array<i32>} : memref<4096xi32, #tpu.memory_space<vmem>>, vector<16xi32>,
        %gather3A_204 = tpu.vector_load_idx %arg5[%get3A_203] : memref<100000xf32, #tpu.memory_space<vmem>>[vector<16xi32>], vector<16xf32>,
        %swap3A_205 = arith.index_cast %add3A_201 : i32 to index
        %swap3A_206 = tpu.vector_load %arg9[%swap3A_205] {strides = array<i32>} : memref<4096xf32, #tpu.memory_space<vmem>>, vector<16xf32>,
        tpu.vector_store %arg9[%swap3A_205], %gather3A_204 {strides = array<i32>} : memref<4096xf32, #tpu.memory_space<vmem>>, vector<16xf32>,
        %add3A_207 = arith.constant 128 : i32
        %add3A_208 = arith.addi %mul3A_153, %add3A_207 : i32
        %get3A_209 = arith.index_cast %add3A_208 : i32 to index
        %get3A_210 = tpu.vector_load %arg7[%get3A_209] {strides = array<i32>} : memref<4096xi32, #tpu.memory_space<vmem>>, vector<16xi32>,
        %gather3A_211 = tpu.vector_load_idx %arg5[%get3A_210] : memref<100000xf32, #tpu.memory_space<vmem>>[vector<16xi32>], vector<16xf32>,
        %swap3A_212 = arith.index_cast %add3A_208 : i32 to index
        %swap3A_213 = tpu.vector_load %arg9[%swap3A_212] {strides = array<i32>} : memref<4096xf32, #tpu.memory_space<vmem>>, vector<16xf32>,
        tpu.vector_store %arg9[%swap3A_212], %gather3A_211 {strides = array<i32>} : memref<4096xf32, #tpu.memory_space<vmem>>, vector<16xf32>,
        %add3A_214 = arith.constant 144 : i32
        %add3A_215 = arith.addi %mul3A_153, %add3A_214 : i32
        %get3A_216 = arith.index_cast %add3A_215 : i32 to index
        %get3A_217 = tpu.vector_load %arg7[%get3A_216] {strides = array<i32>} : memref<4096xi32, #tpu.memory_space<vmem>>, vector<16xi32>,
        %gather3A_218 = tpu.vector_load_idx %arg5[%get3A_217] : memref<100000xf32, #tpu.memory_space<vmem>>[vector<16xi32>], vector<16xf32>,
        %swap3A_219 = arith.index_cast %add3A_215 : i32 to index
        %swap3A_220 = tpu.vector_load %arg9[%swap3A_219] {strides = array<i32>} : memref<4096xf32, #tpu.memory_space<vmem>>, vector<16xf32>,
        tpu.vector_store %arg9[%swap3A_219], %gather3A_218 {strides = array<i32>} : memref<4096xf32, #tpu.memory_space<vmem>>, vector<16xf32>,
        %add3A_221 = arith.constant 160 : i32
        %add3A_222 = arith.addi %mul3A_153, %add3A_221 : i32
        %get3A_223 = arith.index_cast %add3A_222 : i32 to index
        %get3A_224 = tpu.vector_load %arg7[%get3A_223] {strides = array<i32>} : memref<4096xi32, #tpu.memory_space<vmem>>, vector<16xi32>,
        %gather3A_225 = tpu.vector_load_idx %arg5[%get3A_224] : memref<100000xf32, #tpu.memory_space<vmem>>[vector<16xi32>], vector<16xf32>,
        %swap3A_226 = arith.index_cast %add3A_222 : i32 to index
        %swap3A_227 = tpu.vector_load %arg9[%swap3A_226] {strides = array<i32>} : memref<4096xf32, #tpu.memory_space<vmem>>, vector<16xf32>,
        tpu.vector_store %arg9[%swap3A_226], %gather3A_225 {strides = array<i32>} : memref<4096xf32, #tpu.memory_space<vmem>>, vector<16xf32>,
        %add3A_228 = arith.constant 176 : i32
        %add3A_229 = arith.addi %mul3A_153, %add3A_228 : i32
        %get3A_230 = arith.index_cast %add3A_229 : i32 to index
        %get3A_231 = tpu.vector_load %arg7[%get3A_230] {strides = array<i32>} : memref<4096xi32, #tpu.memory_space<vmem>>, vector<16xi32>,
        %gather3A_232 = tpu.vector_load_idx %arg5[%get3A_231] : memref<100000xf32, #tpu.memory_space<vmem>>[vector<16xi32>], vector<16xf32>,
        %swap3A_233 = arith.index_cast %add3A_229 : i32 to index
        %swap3A_234 = tpu.vector_load %arg9[%swap3A_233] {strides = array<i32>} : memref<4096xf32, #tpu.memory_space<vmem>>, vector<16xf32>,
        tpu.vector_store %arg9[%swap3A_233], %gather3A_232 {strides = array<i32>} : memref<4096xf32, #tpu.memory_space<vmem>>, vector<16xf32>,
        %add3A_235 = arith.constant 192 : i32
        %add3A_236 = arith.addi %mul3A_153, %add3A_235 : i32
        %get3A_237 = arith.index_cast %add3A_236 : i32 to index
        %get3A_238 = tpu.vector_load %arg7[%get3A_237] {strides = array<i32>} : memref<4096xi32, #tpu.memory_space<vmem>>, vector<16xi32>,
        %gather3A_239 = tpu.vector_load_idx %arg5[%get3A_238] : memref<100000xf32, #tpu.memory_space<vmem>>[vector<16xi32>], vector<16xf32>,
        %swap3A_240 = arith.index_cast %add3A_236 : i32 to index
        %swap3A_241 = tpu.vector_load %arg9[%swap3A_240] {strides = array<i32>} : memref<4096xf32, #tpu.memory_space<vmem>>, vector<16xf32>,
        tpu.vector_store %arg9[%swap3A_240], %gather3A_239 {strides = array<i32>} : memref<4096xf32, #tpu.memory_space<vmem>>, vector<16xf32>,
        %add3A_242 = arith.constant 208 : i32
        %add3A_243 = arith.addi %mul3A_153, %add3A_242 : i32
        %get3A_244 = arith.index_cast %add3A_243 : i32 to index
        %get3A_245 = tpu.vector_load %arg7[%get3A_244] {strides = array<i32>} : memref<4096xi32, #tpu.memory_space<vmem>>, vector<16xi32>,
        %gather3A_246 = tpu.vector_load_idx %arg5[%get3A_245] : memref<100000xf32, #tpu.memory_space<vmem>>[vector<16xi32>], vector<16xf32>,
        %swap3A_247 = arith.index_cast %add3A_243 : i32 to index
        %swap3A_248 = tpu.vector_load %arg9[%swap3A_247] {strides = array<i32>} : memref<4096xf32, #tpu.memory_space<vmem>>, vector<16xf32>,
        tpu.vector_store %arg9[%swap3A_247], %gather3A_246 {strides = array<i32>} : memref<4096xf32, #tpu.memory_space<vmem>>, vector<16xf32>,
        %add3A_249 = arith.constant 224 : i32
        %add3A_250 = arith.addi %mul3A_153, %add3A_249 : i32
        %get3A_251 = arith.index_cast %add3A_250 : i32 to index
        %get3A_252 = tpu.vector_load %arg7[%get3A_251] {strides = array<i32>} : memref<4096xi32, #tpu.memory_space<vmem>>, vector<16xi32>,
        %gather3A_253 = tpu.vector_load_idx %arg5[%get3A_252] : memref<100000xf32, #tpu.memory_space<vmem>>[vector<16xi32>], vector<16xf32>,
        %swap3A_254 = arith.index_cast %add3A_250 : i32 to index
        %swap3A_255 = tpu.vector_load %arg9[%swap3A_254] {strides = array<i32>} : memref<4096xf32, #tpu.memory_space<vmem>>, vector<16xf32>,
        tpu.vector_store %arg9[%swap3A_254], %gather3A_253 {strides = array<i32>} : memref<4096xf32, #tpu.memory_space<vmem>>, vector<16xf32>,
        %add3A_256 = arith.constant 240 : i32
        %add3A_257 = arith.addi %mul3A_153, %add3A_256 : i32
        %get3A_258 = arith.index_cast %add3A_257 : i32 to index
        %get3A_259 = tpu.vector_load %arg7[%get3A_258] {strides = array<i32>} : memref<4096xi32, #tpu.memory_space<vmem>>, vector<16xi32>,
        %gather3A_260 = tpu.vector_load_idx %arg5[%get3A_259] : memref<100000xf32, #tpu.memory_space<vmem>>[vector<16xi32>], vector<16xf32>,
        %swap3A_261 = arith.index_cast %add3A_257 : i32 to index
        %swap3A_262 = tpu.vector_load %arg9[%swap3A_261] {strides = array<i32>} : memref<4096xf32, #tpu.memory_space<vmem>>, vector<16xf32>,
        tpu.vector_store %arg9[%swap3A_261], %gather3A_260 {strides = array<i32>} : memref<4096xf32, #tpu.memory_space<vmem>>, vector<16xf32>,
      }
      %scan3A_84 = arith.constant 16 : i32
      %dma_start3A_85 = arith.constant 4096 : i32
      %dma_start3A_86 = tpu.memref_slice %arg4[%add3A_30, %dma_start3A_85] : memref<832x16384xf32, #tpu.memory_space<hbm>> -> memref<1x4096xf32, #tpu.memory_space<hbm>>
      %dma_start3A_87 = tpu.memref_squeeze %dma_start3A_86 : memref<1x4096xf32, #tpu.memory_space<hbm>> -> memref<4096xf32, #tpu.memory_space<hbm>>
      %dma_start3A_88 = arith.constant 4096 : i32
      %dma_start3A_89 = tpu.memref_slice %arg4[%add3A_30, %dma_start3A_88] : memref<832x16384xf32, #tpu.memory_space<hbm>> -> memref<1x4096xf32, #tpu.memory_space<hbm>>
      %dma_start3A_90 = tpu.memref_squeeze %dma_start3A_89 : memref<1x4096xf32, #tpu.memory_space<hbm>> -> memref<4096xf32, #tpu.memory_space<hbm>>
      tpu.enqueue_dma source(%arg9 : memref<4096xf32, #tpu.memory_space<vmem>>) target(%dma_start3A_90 : memref<4096xf32, #tpu.memory_space<hbm>>) target_semaphore(%arg13 : memref<!tpu.dma_semaphore, #tpu.memory_space<semaphore_mem>>)
      %dma_wait3A_91 = arith.constant 8192 : i32
      %dma_wait3A_92 = tpu.memref_slice %arg2[%shift_right_arithmetic3A_32, %dma_wait3A_91] : memref<26x16384xi32, #tpu.memory_space<hbm>> -> memref<1x4096xi32, #tpu.memory_space<hbm>>
      %dma_wait3A_93 = tpu.memref_squeeze %dma_wait3A_92 : memref<1x4096xi32, #tpu.memory_space<hbm>> -> memref<4096xi32, #tpu.memory_space<hbm>>
      %dma_wait3A_94 = arith.constant 8192 : i32
      %dma_wait3A_95 = tpu.memref_slice %arg2[%shift_right_arithmetic3A_32, %dma_wait3A_94] : memref<26x16384xi32, #tpu.memory_space<hbm>> -> memref<1x4096xi32, #tpu.memory_space<hbm>>
      %dma_wait3A_96 = tpu.memref_squeeze %dma_wait3A_95 : memref<1x4096xi32, #tpu.memory_space<hbm>> -> memref<4096xi32, #tpu.memory_space<hbm>>
      tpu.wait_dma2 semaphore(%arg10 : memref<!tpu.dma_semaphore, #tpu.memory_space<semaphore_mem>>) src(%dma_wait3A_96 : memref<4096xi32, #tpu.memory_space<hbm>>) dst(%arg6 : memref<4096xi32, #tpu.memory_space<vmem>>)
      %gt3A_97 = arith.constant 0 : i32
      %gt3A_98 = arith.cmpi sgt, %scan3A_26, %gt3A_97 : i32
      %or3A_99 = arith.constant true
      %or3A_100 = arith.ori %gt3A_98, %or3A_99 : i1
      %convert_element_type3A_101 = arith.extui %or3A_100 : i1 to i32
      %cond3A_102 = arith.constant 0 : i32
      %cond3A_103 = arith.cmpi ne, %convert_element_type3A_101, %cond3A_102 : i32
      scf.if %cond3A_103 {
        %dma_wait3A_151 = arith.constant 8192 : i32
        %dma_wait3A_152 = tpu.memref_slice %arg4[%add3A_30, %dma_wait3A_151] : memref<832x16384xf32, #tpu.memory_space<hbm>> -> memref<1x4096xf32, #tpu.memory_space<hbm>>
        %dma_wait3A_153 = tpu.memref_squeeze %dma_wait3A_152 : memref<1x4096xf32, #tpu.memory_space<hbm>> -> memref<4096xf32, #tpu.memory_space<hbm>>
        %dma_wait3A_154 = arith.constant 8192 : i32
        %dma_wait3A_155 = tpu.memref_slice %arg4[%add3A_30, %dma_wait3A_154] : memref<832x16384xf32, #tpu.memory_space<hbm>> -> memref<1x4096xf32, #tpu.memory_space<hbm>>
        %dma_wait3A_156 = tpu.memref_squeeze %dma_wait3A_155 : memref<1x4096xf32, #tpu.memory_space<hbm>> -> memref<4096xf32, #tpu.memory_space<hbm>>
        tpu.wait_dma2 semaphore(%arg12 : memref<!tpu.dma_semaphore, #tpu.memory_space<semaphore_mem>>) src(%arg8 : memref<4096xf32, #tpu.memory_space<vmem>>) dst(%dma_wait3A_156 : memref<4096xf32, #tpu.memory_space<hbm>>)
      } else {
      }
      %dma_start3A_104 = arith.constant 12288 : i32
      %dma_start3A_105 = tpu.memref_slice %arg2[%shift_right_arithmetic3A_32, %dma_start3A_104] : memref<26x16384xi32, #tpu.memory_space<hbm>> -> memref<1x4096xi32, #tpu.memory_space<hbm>>
      %dma_start3A_106 = tpu.memref_squeeze %dma_start3A_105 : memref<1x4096xi32, #tpu.memory_space<hbm>> -> memref<4096xi32, #tpu.memory_space<hbm>>
      %dma_start3A_107 = arith.constant 12288 : i32
      %dma_start3A_108 = tpu.memref_slice %arg2[%shift_right_arithmetic3A_32, %dma_start3A_107] : memref<26x16384xi32, #tpu.memory_space<hbm>> -> memref<1x4096xi32, #tpu.memory_space<hbm>>
      %dma_start3A_109 = tpu.memref_squeeze %dma_start3A_108 : memref<1x4096xi32, #tpu.memory_space<hbm>> -> memref<4096xi32, #tpu.memory_space<hbm>>
      tpu.enqueue_dma source(%dma_start3A_109 : memref<4096xi32, #tpu.memory_space<hbm>>) target(%arg7 : memref<4096xi32, #tpu.memory_space<vmem>>) target_semaphore(%arg11 : memref<!tpu.dma_semaphore, #tpu.memory_space<semaphore_mem>>)
      %scan3A_110 = arith.constant 0 : i32
      %scan3A_111 = arith.constant 0 : i32
      %scan3A_112 = arith.constant 16 : i32
      %scan3A_113 = arith.addi %scan3A_111, %scan3A_112 : i32
      %scan3A_114 = arith.constant 1 : i32
      scf.for %scan3A_151 = %scan3A_111 to %scan3A_113 step %scan3A_114  : i32 {
        %mul3A_152 = arith.constant 256 : i32
        %mul3A_153 = arith.muli %scan3A_151, %mul3A_152 : i32
        %add3A_154 = arith.constant 0 : i32
        %add3A_155 = arith.addi %mul3A_153, %add3A_154 : i32
        %get3A = arith.index_cast %add3A_155 : i32 to index
        %get3A_156 = tpu.vector_load %arg6[%get3A] {strides = array<i32>} : memref<4096xi32, #tpu.memory_space<vmem>>, vector<16xi32>,
        %gather3A = tpu.vector_load_idx %arg5[%get3A_156] : memref<100000xf32, #tpu.memory_space<vmem>>[vector<16xi32>], vector<16xf32>,
        %swap3A = arith.index_cast %add3A_155 : i32 to index
        %swap3A_157 = tpu.vector_load %arg8[%swap3A] {strides = array<i32>} : memref<4096xf32, #tpu.memory_space<vmem>>, vector<16xf32>,
        tpu.vector_store %arg8[%swap3A], %gather3A {strides = array<i32>} : memref<4096xf32, #tpu.memory_space<vmem>>, vector<16xf32>,
        %add3A_158 = arith.constant 16 : i32
        %add3A_159 = arith.addi %mul3A_153, %add3A_158 : i32
        %get3A_160 = arith.index_cast %add3A_159 : i32 to index
        %get3A_161 = tpu.vector_load %arg6[%get3A_160] {strides = array<i32>} : memref<4096xi32, #tpu.memory_space<vmem>>, vector<16xi32>,
        %gather3A_162 = tpu.vector_load_idx %arg5[%get3A_161] : memref<100000xf32, #tpu.memory_space<vmem>>[vector<16xi32>], vector<16xf32>,
        %swap3A_163 = arith.index_cast %add3A_159 : i32 to index
        %swap3A_164 = tpu.vector_load %arg8[%swap3A_163] {strides = array<i32>} : memref<4096xf32, #tpu.memory_space<vmem>>, vector<16xf32>,
        tpu.vector_store %arg8[%swap3A_163], %gather3A_162 {strides = array<i32>} : memref<4096xf32, #tpu.memory_space<vmem>>, vector<16xf32>,
        %add3A_165 = arith.constant 32 : i32
        %add3A_166 = arith.addi %mul3A_153, %add3A_165 : i32
        %get3A_167 = arith.index_cast %add3A_166 : i32 to index
        %get3A_168 = tpu.vector_load %arg6[%get3A_167] {strides = array<i32>} : memref<4096xi32, #tpu.memory_space<vmem>>, vector<16xi32>,
        %gather3A_169 = tpu.vector_load_idx %arg5[%get3A_168] : memref<100000xf32, #tpu.memory_space<vmem>>[vector<16xi32>], vector<16xf32>,
        %swap3A_170 = arith.index_cast %add3A_166 : i32 to index
        %swap3A_171 = tpu.vector_load %arg8[%swap3A_170] {strides = array<i32>} : memref<4096xf32, #tpu.memory_space<vmem>>, vector<16xf32>,
        tpu.vector_store %arg8[%swap3A_170], %gather3A_169 {strides = array<i32>} : memref<4096xf32, #tpu.memory_space<vmem>>, vector<16xf32>,
        %add3A_172 = arith.constant 48 : i32
        %add3A_173 = arith.addi %mul3A_153, %add3A_172 : i32
        %get3A_174 = arith.index_cast %add3A_173 : i32 to index
        %get3A_175 = tpu.vector_load %arg6[%get3A_174] {strides = array<i32>} : memref<4096xi32, #tpu.memory_space<vmem>>, vector<16xi32>,
        %gather3A_176 = tpu.vector_load_idx %arg5[%get3A_175] : memref<100000xf32, #tpu.memory_space<vmem>>[vector<16xi32>], vector<16xf32>,
        %swap3A_177 = arith.index_cast %add3A_173 : i32 to index
        %swap3A_178 = tpu.vector_load %arg8[%swap3A_177] {strides = array<i32>} : memref<4096xf32, #tpu.memory_space<vmem>>, vector<16xf32>,
        tpu.vector_store %arg8[%swap3A_177], %gather3A_176 {strides = array<i32>} : memref<4096xf32, #tpu.memory_space<vmem>>, vector<16xf32>,
        %add3A_179 = arith.constant 64 : i32
        %add3A_180 = arith.addi %mul3A_153, %add3A_179 : i32
        %get3A_181 = arith.index_cast %add3A_180 : i32 to index
        %get3A_182 = tpu.vector_load %arg6[%get3A_181] {strides = array<i32>} : memref<4096xi32, #tpu.memory_space<vmem>>, vector<16xi32>,
        %gather3A_183 = tpu.vector_load_idx %arg5[%get3A_182] : memref<100000xf32, #tpu.memory_space<vmem>>[vector<16xi32>], vector<16xf32>,
        %swap3A_184 = arith.index_cast %add3A_180 : i32 to index
        %swap3A_185 = tpu.vector_load %arg8[%swap3A_184] {strides = array<i32>} : memref<4096xf32, #tpu.memory_space<vmem>>, vector<16xf32>,
        tpu.vector_store %arg8[%swap3A_184], %gather3A_183 {strides = array<i32>} : memref<4096xf32, #tpu.memory_space<vmem>>, vector<16xf32>,
        %add3A_186 = arith.constant 80 : i32
        %add3A_187 = arith.addi %mul3A_153, %add3A_186 : i32
        %get3A_188 = arith.index_cast %add3A_187 : i32 to index
        %get3A_189 = tpu.vector_load %arg6[%get3A_188] {strides = array<i32>} : memref<4096xi32, #tpu.memory_space<vmem>>, vector<16xi32>,
        %gather3A_190 = tpu.vector_load_idx %arg5[%get3A_189] : memref<100000xf32, #tpu.memory_space<vmem>>[vector<16xi32>], vector<16xf32>,
        %swap3A_191 = arith.index_cast %add3A_187 : i32 to index
        %swap3A_192 = tpu.vector_load %arg8[%swap3A_191] {strides = array<i32>} : memref<4096xf32, #tpu.memory_space<vmem>>, vector<16xf32>,
        tpu.vector_store %arg8[%swap3A_191], %gather3A_190 {strides = array<i32>} : memref<4096xf32, #tpu.memory_space<vmem>>, vector<16xf32>,
        %add3A_193 = arith.constant 96 : i32
        %add3A_194 = arith.addi %mul3A_153, %add3A_193 : i32
        %get3A_195 = arith.index_cast %add3A_194 : i32 to index
        %get3A_196 = tpu.vector_load %arg6[%get3A_195] {strides = array<i32>} : memref<4096xi32, #tpu.memory_space<vmem>>, vector<16xi32>,
        %gather3A_197 = tpu.vector_load_idx %arg5[%get3A_196] : memref<100000xf32, #tpu.memory_space<vmem>>[vector<16xi32>], vector<16xf32>,
        %swap3A_198 = arith.index_cast %add3A_194 : i32 to index
        %swap3A_199 = tpu.vector_load %arg8[%swap3A_198] {strides = array<i32>} : memref<4096xf32, #tpu.memory_space<vmem>>, vector<16xf32>,
        tpu.vector_store %arg8[%swap3A_198], %gather3A_197 {strides = array<i32>} : memref<4096xf32, #tpu.memory_space<vmem>>, vector<16xf32>,
        %add3A_200 = arith.constant 112 : i32
        %add3A_201 = arith.addi %mul3A_153, %add3A_200 : i32
        %get3A_202 = arith.index_cast %add3A_201 : i32 to index
        %get3A_203 = tpu.vector_load %arg6[%get3A_202] {strides = array<i32>} : memref<4096xi32, #tpu.memory_space<vmem>>, vector<16xi32>,
        %gather3A_204 = tpu.vector_load_idx %arg5[%get3A_203] : memref<100000xf32, #tpu.memory_space<vmem>>[vector<16xi32>], vector<16xf32>,
        %swap3A_205 = arith.index_cast %add3A_201 : i32 to index
        %swap3A_206 = tpu.vector_load %arg8[%swap3A_205] {strides = array<i32>} : memref<4096xf32, #tpu.memory_space<vmem>>, vector<16xf32>,
        tpu.vector_store %arg8[%swap3A_205], %gather3A_204 {strides = array<i32>} : memref<4096xf32, #tpu.memory_space<vmem>>, vector<16xf32>,
        %add3A_207 = arith.constant 128 : i32
        %add3A_208 = arith.addi %mul3A_153, %add3A_207 : i32
        %get3A_209 = arith.index_cast %add3A_208 : i32 to index
        %get3A_210 = tpu.vector_load %arg6[%get3A_209] {strides = array<i32>} : memref<4096xi32, #tpu.memory_space<vmem>>, vector<16xi32>,
        %gather3A_211 = tpu.vector_load_idx %arg5[%get3A_210] : memref<100000xf32, #tpu.memory_space<vmem>>[vector<16xi32>], vector<16xf32>,
        %swap3A_212 = arith.index_cast %add3A_208 : i32 to index
        %swap3A_213 = tpu.vector_load %arg8[%swap3A_212] {strides = array<i32>} : memref<4096xf32, #tpu.memory_space<vmem>>, vector<16xf32>,
        tpu.vector_store %arg8[%swap3A_212], %gather3A_211 {strides = array<i32>} : memref<4096xf32, #tpu.memory_space<vmem>>, vector<16xf32>,
        %add3A_214 = arith.constant 144 : i32
        %add3A_215 = arith.addi %mul3A_153, %add3A_214 : i32
        %get3A_216 = arith.index_cast %add3A_215 : i32 to index
        %get3A_217 = tpu.vector_load %arg6[%get3A_216] {strides = array<i32>} : memref<4096xi32, #tpu.memory_space<vmem>>, vector<16xi32>,
        %gather3A_218 = tpu.vector_load_idx %arg5[%get3A_217] : memref<100000xf32, #tpu.memory_space<vmem>>[vector<16xi32>], vector<16xf32>,
        %swap3A_219 = arith.index_cast %add3A_215 : i32 to index
        %swap3A_220 = tpu.vector_load %arg8[%swap3A_219] {strides = array<i32>} : memref<4096xf32, #tpu.memory_space<vmem>>, vector<16xf32>,
        tpu.vector_store %arg8[%swap3A_219], %gather3A_218 {strides = array<i32>} : memref<4096xf32, #tpu.memory_space<vmem>>, vector<16xf32>,
        %add3A_221 = arith.constant 160 : i32
        %add3A_222 = arith.addi %mul3A_153, %add3A_221 : i32
        %get3A_223 = arith.index_cast %add3A_222 : i32 to index
        %get3A_224 = tpu.vector_load %arg6[%get3A_223] {strides = array<i32>} : memref<4096xi32, #tpu.memory_space<vmem>>, vector<16xi32>,
        %gather3A_225 = tpu.vector_load_idx %arg5[%get3A_224] : memref<100000xf32, #tpu.memory_space<vmem>>[vector<16xi32>], vector<16xf32>,
        %swap3A_226 = arith.index_cast %add3A_222 : i32 to index
        %swap3A_227 = tpu.vector_load %arg8[%swap3A_226] {strides = array<i32>} : memref<4096xf32, #tpu.memory_space<vmem>>, vector<16xf32>,
        tpu.vector_store %arg8[%swap3A_226], %gather3A_225 {strides = array<i32>} : memref<4096xf32, #tpu.memory_space<vmem>>, vector<16xf32>,
        %add3A_228 = arith.constant 176 : i32
        %add3A_229 = arith.addi %mul3A_153, %add3A_228 : i32
        %get3A_230 = arith.index_cast %add3A_229 : i32 to index
        %get3A_231 = tpu.vector_load %arg6[%get3A_230] {strides = array<i32>} : memref<4096xi32, #tpu.memory_space<vmem>>, vector<16xi32>,
        %gather3A_232 = tpu.vector_load_idx %arg5[%get3A_231] : memref<100000xf32, #tpu.memory_space<vmem>>[vector<16xi32>], vector<16xf32>,
        %swap3A_233 = arith.index_cast %add3A_229 : i32 to index
        %swap3A_234 = tpu.vector_load %arg8[%swap3A_233] {strides = array<i32>} : memref<4096xf32, #tpu.memory_space<vmem>>, vector<16xf32>,
        tpu.vector_store %arg8[%swap3A_233], %gather3A_232 {strides = array<i32>} : memref<4096xf32, #tpu.memory_space<vmem>>, vector<16xf32>,
        %add3A_235 = arith.constant 192 : i32
        %add3A_236 = arith.addi %mul3A_153, %add3A_235 : i32
        %get3A_237 = arith.index_cast %add3A_236 : i32 to index
        %get3A_238 = tpu.vector_load %arg6[%get3A_237] {strides = array<i32>} : memref<4096xi32, #tpu.memory_space<vmem>>, vector<16xi32>,
        %gather3A_239 = tpu.vector_load_idx %arg5[%get3A_238] : memref<100000xf32, #tpu.memory_space<vmem>>[vector<16xi32>], vector<16xf32>,
        %swap3A_240 = arith.index_cast %add3A_236 : i32 to index
        %swap3A_241 = tpu.vector_load %arg8[%swap3A_240] {strides = array<i32>} : memref<4096xf32, #tpu.memory_space<vmem>>, vector<16xf32>,
        tpu.vector_store %arg8[%swap3A_240], %gather3A_239 {strides = array<i32>} : memref<4096xf32, #tpu.memory_space<vmem>>, vector<16xf32>,
        %add3A_242 = arith.constant 208 : i32
        %add3A_243 = arith.addi %mul3A_153, %add3A_242 : i32
        %get3A_244 = arith.index_cast %add3A_243 : i32 to index
        %get3A_245 = tpu.vector_load %arg6[%get3A_244] {strides = array<i32>} : memref<4096xi32, #tpu.memory_space<vmem>>, vector<16xi32>,
        %gather3A_246 = tpu.vector_load_idx %arg5[%get3A_245] : memref<100000xf32, #tpu.memory_space<vmem>>[vector<16xi32>], vector<16xf32>,
        %swap3A_247 = arith.index_cast %add3A_243 : i32 to index
        %swap3A_248 = tpu.vector_load %arg8[%swap3A_247] {strides = array<i32>} : memref<4096xf32, #tpu.memory_space<vmem>>, vector<16xf32>,
        tpu.vector_store %arg8[%swap3A_247], %gather3A_246 {strides = array<i32>} : memref<4096xf32, #tpu.memory_space<vmem>>, vector<16xf32>,
        %add3A_249 = arith.constant 224 : i32
        %add3A_250 = arith.addi %mul3A_153, %add3A_249 : i32
        %get3A_251 = arith.index_cast %add3A_250 : i32 to index
        %get3A_252 = tpu.vector_load %arg6[%get3A_251] {strides = array<i32>} : memref<4096xi32, #tpu.memory_space<vmem>>, vector<16xi32>,
        %gather3A_253 = tpu.vector_load_idx %arg5[%get3A_252] : memref<100000xf32, #tpu.memory_space<vmem>>[vector<16xi32>], vector<16xf32>,
        %swap3A_254 = arith.index_cast %add3A_250 : i32 to index
        %swap3A_255 = tpu.vector_load %arg8[%swap3A_254] {strides = array<i32>} : memref<4096xf32, #tpu.memory_space<vmem>>, vector<16xf32>,
        tpu.vector_store %arg8[%swap3A_254], %gather3A_253 {strides = array<i32>} : memref<4096xf32, #tpu.memory_space<vmem>>, vector<16xf32>,
        %add3A_256 = arith.constant 240 : i32
        %add3A_257 = arith.addi %mul3A_153, %add3A_256 : i32
        %get3A_258 = arith.index_cast %add3A_257 : i32 to index
        %get3A_259 = tpu.vector_load %arg6[%get3A_258] {strides = array<i32>} : memref<4096xi32, #tpu.memory_space<vmem>>, vector<16xi32>,
        %gather3A_260 = tpu.vector_load_idx %arg5[%get3A_259] : memref<100000xf32, #tpu.memory_space<vmem>>[vector<16xi32>], vector<16xf32>,
        %swap3A_261 = arith.index_cast %add3A_257 : i32 to index
        %swap3A_262 = tpu.vector_load %arg8[%swap3A_261] {strides = array<i32>} : memref<4096xf32, #tpu.memory_space<vmem>>, vector<16xf32>,
        tpu.vector_store %arg8[%swap3A_261], %gather3A_260 {strides = array<i32>} : memref<4096xf32, #tpu.memory_space<vmem>>, vector<16xf32>,
      }
      %scan3A_115 = arith.constant 16 : i32
      %dma_start3A_116 = arith.constant 8192 : i32
      %dma_start3A_117 = tpu.memref_slice %arg4[%add3A_30, %dma_start3A_116] : memref<832x16384xf32, #tpu.memory_space<hbm>> -> memref<1x4096xf32, #tpu.memory_space<hbm>>
      %dma_start3A_118 = tpu.memref_squeeze %dma_start3A_117 : memref<1x4096xf32, #tpu.memory_space<hbm>> -> memref<4096xf32, #tpu.memory_space<hbm>>
      %dma_start3A_119 = arith.constant 8192 : i32
      %dma_start3A_120 = tpu.memref_slice %arg4[%add3A_30, %dma_start3A_119] : memref<832x16384xf32, #tpu.memory_space<hbm>> -> memref<1x4096xf32, #tpu.memory_space<hbm>>
      %dma_start3A_121 = tpu.memref_squeeze %dma_start3A_120 : memref<1x4096xf32, #tpu.memory_space<hbm>> -> memref<4096xf32, #tpu.memory_space<hbm>>
      tpu.enqueue_dma source(%arg8 : memref<4096xf32, #tpu.memory_space<vmem>>) target(%dma_start3A_121 : memref<4096xf32, #tpu.memory_space<hbm>>) target_semaphore(%arg12 : memref<!tpu.dma_semaphore, #tpu.memory_space<semaphore_mem>>)
      %dma_wait3A_122 = arith.constant 12288 : i32
      %dma_wait3A_123 = tpu.memref_slice %arg2[%shift_right_arithmetic3A_32, %dma_wait3A_122] : memref<26x16384xi32, #tpu.memory_space<hbm>> -> memref<1x4096xi32, #tpu.memory_space<hbm>>
      %dma_wait3A_124 = tpu.memref_squeeze %dma_wait3A_123 : memref<1x4096xi32, #tpu.memory_space<hbm>> -> memref<4096xi32, #tpu.memory_space<hbm>>
      %dma_wait3A_125 = arith.constant 12288 : i32
      %dma_wait3A_126 = tpu.memref_slice %arg2[%shift_right_arithmetic3A_32, %dma_wait3A_125] : memref<26x16384xi32, #tpu.memory_space<hbm>> -> memref<1x4096xi32, #tpu.memory_space<hbm>>
      %dma_wait3A_127 = tpu.memref_squeeze %dma_wait3A_126 : memref<1x4096xi32, #tpu.memory_space<hbm>> -> memref<4096xi32, #tpu.memory_space<hbm>>
      tpu.wait_dma2 semaphore(%arg11 : memref<!tpu.dma_semaphore, #tpu.memory_space<semaphore_mem>>) src(%dma_wait3A_127 : memref<4096xi32, #tpu.memory_space<hbm>>) dst(%arg7 : memref<4096xi32, #tpu.memory_space<vmem>>)
      %gt3A_128 = arith.constant 0 : i32
      %gt3A_129 = arith.cmpi sgt, %scan3A_26, %gt3A_128 : i32
      %or3A_130 = arith.constant true
      %or3A_131 = arith.ori %gt3A_129, %or3A_130 : i1
      %convert_element_type3A_132 = arith.extui %or3A_131 : i1 to i32
      %cond3A_133 = arith.constant 0 : i32
      %cond3A_134 = arith.cmpi ne, %convert_element_type3A_132, %cond3A_133 : i32
      scf.if %cond3A_134 {
        %dma_wait3A_151 = arith.constant 12288 : i32
        %dma_wait3A_152 = tpu.memref_slice %arg4[%add3A_30, %dma_wait3A_151] : memref<832x16384xf32, #tpu.memory_space<hbm>> -> memref<1x4096xf32, #tpu.memory_space<hbm>>
        %dma_wait3A_153 = tpu.memref_squeeze %dma_wait3A_152 : memref<1x4096xf32, #tpu.memory_space<hbm>> -> memref<4096xf32, #tpu.memory_space<hbm>>
        %dma_wait3A_154 = arith.constant 12288 : i32
        %dma_wait3A_155 = tpu.memref_slice %arg4[%add3A_30, %dma_wait3A_154] : memref<832x16384xf32, #tpu.memory_space<hbm>> -> memref<1x4096xf32, #tpu.memory_space<hbm>>
        %dma_wait3A_156 = tpu.memref_squeeze %dma_wait3A_155 : memref<1x4096xf32, #tpu.memory_space<hbm>> -> memref<4096xf32, #tpu.memory_space<hbm>>
        tpu.wait_dma2 semaphore(%arg13 : memref<!tpu.dma_semaphore, #tpu.memory_space<semaphore_mem>>) src(%arg9 : memref<4096xf32, #tpu.memory_space<vmem>>) dst(%dma_wait3A_156 : memref<4096xf32, #tpu.memory_space<hbm>>)
      } else {
      }
      %lt3A = arith.constant 25 : i32
      %lt3A_135 = arith.cmpi slt, %scan3A_26, %lt3A : i32
      %convert_element_type3A_136 = arith.extui %lt3A_135 : i1 to i32
      %cond3A_137 = arith.constant 0 : i32
      %cond3A_138 = arith.cmpi ne, %convert_element_type3A_136, %cond3A_137 : i32
      scf.if %cond3A_138 {
        %add3A_151 = arith.constant 16 : i32
        %add3A_152 = arith.addi %add3A_30, %add3A_151 : i32
        %shift_right_arithmetic3A_153 = arith.constant 5 : i32
        %shift_right_arithmetic3A_154 = arith.shrsi %add3A_152, %shift_right_arithmetic3A_153 : i32
        %dma_start3A_155 = arith.constant 0 : i32
        %dma_start3A_156 = tpu.memref_slice %arg2[%shift_right_arithmetic3A_154, %dma_start3A_155] : memref<26x16384xi32, #tpu.memory_space<hbm>> -> memref<1x4096xi32, #tpu.memory_space<hbm>>
        %dma_start3A_157 = tpu.memref_squeeze %dma_start3A_156 : memref<1x4096xi32, #tpu.memory_space<hbm>> -> memref<4096xi32, #tpu.memory_space<hbm>>
        %dma_start3A_158 = arith.constant 0 : i32
        %dma_start3A_159 = tpu.memref_slice %arg2[%shift_right_arithmetic3A_154, %dma_start3A_158] : memref<26x16384xi32, #tpu.memory_space<hbm>> -> memref<1x4096xi32, #tpu.memory_space<hbm>>
        %dma_start3A_160 = tpu.memref_squeeze %dma_start3A_159 : memref<1x4096xi32, #tpu.memory_space<hbm>> -> memref<4096xi32, #tpu.memory_space<hbm>>
        tpu.enqueue_dma source(%dma_start3A_160 : memref<4096xi32, #tpu.memory_space<hbm>>) target(%arg6 : memref<4096xi32, #tpu.memory_space<vmem>>) target_semaphore(%arg10 : memref<!tpu.dma_semaphore, #tpu.memory_space<semaphore_mem>>)
      } else {
      }
      %scan3A_139 = arith.constant 0 : i32
      %scan3A_140 = arith.constant 0 : i32
      %scan3A_141 = arith.constant 16 : i32
      %scan3A_142 = arith.addi %scan3A_140, %scan3A_141 : i32
      %scan3A_143 = arith.constant 1 : i32
      scf.for %scan3A_151 = %scan3A_140 to %scan3A_142 step %scan3A_143  : i32 {
        %mul3A_152 = arith.constant 256 : i32
        %mul3A_153 = arith.muli %scan3A_151, %mul3A_152 : i32
        %add3A_154 = arith.constant 0 : i32
        %add3A_155 = arith.addi %mul3A_153, %add3A_154 : i32
        %get3A = arith.index_cast %add3A_155 : i32 to index
        %get3A_156 = tpu.vector_load %arg7[%get3A] {strides = array<i32>} : memref<4096xi32, #tpu.memory_space<vmem>>, vector<16xi32>,
        %gather3A = tpu.vector_load_idx %arg5[%get3A_156] : memref<100000xf32, #tpu.memory_space<vmem>>[vector<16xi32>], vector<16xf32>,
        %swap3A = arith.index_cast %add3A_155 : i32 to index
        %swap3A_157 = tpu.vector_load %arg9[%swap3A] {strides = array<i32>} : memref<4096xf32, #tpu.memory_space<vmem>>, vector<16xf32>,
        tpu.vector_store %arg9[%swap3A], %gather3A {strides = array<i32>} : memref<4096xf32, #tpu.memory_space<vmem>>, vector<16xf32>,
        %add3A_158 = arith.constant 16 : i32
        %add3A_159 = arith.addi %mul3A_153, %add3A_158 : i32
        %get3A_160 = arith.index_cast %add3A_159 : i32 to index
        %get3A_161 = tpu.vector_load %arg7[%get3A_160] {strides = array<i32>} : memref<4096xi32, #tpu.memory_space<vmem>>, vector<16xi32>,
        %gather3A_162 = tpu.vector_load_idx %arg5[%get3A_161] : memref<100000xf32, #tpu.memory_space<vmem>>[vector<16xi32>], vector<16xf32>,
        %swap3A_163 = arith.index_cast %add3A_159 : i32 to index
        %swap3A_164 = tpu.vector_load %arg9[%swap3A_163] {strides = array<i32>} : memref<4096xf32, #tpu.memory_space<vmem>>, vector<16xf32>,
        tpu.vector_store %arg9[%swap3A_163], %gather3A_162 {strides = array<i32>} : memref<4096xf32, #tpu.memory_space<vmem>>, vector<16xf32>,
        %add3A_165 = arith.constant 32 : i32
        %add3A_166 = arith.addi %mul3A_153, %add3A_165 : i32
        %get3A_167 = arith.index_cast %add3A_166 : i32 to index
        %get3A_168 = tpu.vector_load %arg7[%get3A_167] {strides = array<i32>} : memref<4096xi32, #tpu.memory_space<vmem>>, vector<16xi32>,
        %gather3A_169 = tpu.vector_load_idx %arg5[%get3A_168] : memref<100000xf32, #tpu.memory_space<vmem>>[vector<16xi32>], vector<16xf32>,
        %swap3A_170 = arith.index_cast %add3A_166 : i32 to index
        %swap3A_171 = tpu.vector_load %arg9[%swap3A_170] {strides = array<i32>} : memref<4096xf32, #tpu.memory_space<vmem>>, vector<16xf32>,
        tpu.vector_store %arg9[%swap3A_170], %gather3A_169 {strides = array<i32>} : memref<4096xf32, #tpu.memory_space<vmem>>, vector<16xf32>,
        %add3A_172 = arith.constant 48 : i32
        %add3A_173 = arith.addi %mul3A_153, %add3A_172 : i32
        %get3A_174 = arith.index_cast %add3A_173 : i32 to index
        %get3A_175 = tpu.vector_load %arg7[%get3A_174] {strides = array<i32>} : memref<4096xi32, #tpu.memory_space<vmem>>, vector<16xi32>,
        %gather3A_176 = tpu.vector_load_idx %arg5[%get3A_175] : memref<100000xf32, #tpu.memory_space<vmem>>[vector<16xi32>], vector<16xf32>,
        %swap3A_177 = arith.index_cast %add3A_173 : i32 to index
        %swap3A_178 = tpu.vector_load %arg9[%swap3A_177] {strides = array<i32>} : memref<4096xf32, #tpu.memory_space<vmem>>, vector<16xf32>,
        tpu.vector_store %arg9[%swap3A_177], %gather3A_176 {strides = array<i32>} : memref<4096xf32, #tpu.memory_space<vmem>>, vector<16xf32>,
        %add3A_179 = arith.constant 64 : i32
        %add3A_180 = arith.addi %mul3A_153, %add3A_179 : i32
        %get3A_181 = arith.index_cast %add3A_180 : i32 to index
        %get3A_182 = tpu.vector_load %arg7[%get3A_181] {strides = array<i32>} : memref<4096xi32, #tpu.memory_space<vmem>>, vector<16xi32>,
        %gather3A_183 = tpu.vector_load_idx %arg5[%get3A_182] : memref<100000xf32, #tpu.memory_space<vmem>>[vector<16xi32>], vector<16xf32>,
        %swap3A_184 = arith.index_cast %add3A_180 : i32 to index
        %swap3A_185 = tpu.vector_load %arg9[%swap3A_184] {strides = array<i32>} : memref<4096xf32, #tpu.memory_space<vmem>>, vector<16xf32>,
        tpu.vector_store %arg9[%swap3A_184], %gather3A_183 {strides = array<i32>} : memref<4096xf32, #tpu.memory_space<vmem>>, vector<16xf32>,
        %add3A_186 = arith.constant 80 : i32
        %add3A_187 = arith.addi %mul3A_153, %add3A_186 : i32
        %get3A_188 = arith.index_cast %add3A_187 : i32 to index
        %get3A_189 = tpu.vector_load %arg7[%get3A_188] {strides = array<i32>} : memref<4096xi32, #tpu.memory_space<vmem>>, vector<16xi32>,
        %gather3A_190 = tpu.vector_load_idx %arg5[%get3A_189] : memref<100000xf32, #tpu.memory_space<vmem>>[vector<16xi32>], vector<16xf32>,
        %swap3A_191 = arith.index_cast %add3A_187 : i32 to index
        %swap3A_192 = tpu.vector_load %arg9[%swap3A_191] {strides = array<i32>} : memref<4096xf32, #tpu.memory_space<vmem>>, vector<16xf32>,
        tpu.vector_store %arg9[%swap3A_191], %gather3A_190 {strides = array<i32>} : memref<4096xf32, #tpu.memory_space<vmem>>, vector<16xf32>,
        %add3A_193 = arith.constant 96 : i32
        %add3A_194 = arith.addi %mul3A_153, %add3A_193 : i32
        %get3A_195 = arith.index_cast %add3A_194 : i32 to index
        %get3A_196 = tpu.vector_load %arg7[%get3A_195] {strides = array<i32>} : memref<4096xi32, #tpu.memory_space<vmem>>, vector<16xi32>,
        %gather3A_197 = tpu.vector_load_idx %arg5[%get3A_196] : memref<100000xf32, #tpu.memory_space<vmem>>[vector<16xi32>], vector<16xf32>,
        %swap3A_198 = arith.index_cast %add3A_194 : i32 to index
        %swap3A_199 = tpu.vector_load %arg9[%swap3A_198] {strides = array<i32>} : memref<4096xf32, #tpu.memory_space<vmem>>, vector<16xf32>,
        tpu.vector_store %arg9[%swap3A_198], %gather3A_197 {strides = array<i32>} : memref<4096xf32, #tpu.memory_space<vmem>>, vector<16xf32>,
        %add3A_200 = arith.constant 112 : i32
        %add3A_201 = arith.addi %mul3A_153, %add3A_200 : i32
        %get3A_202 = arith.index_cast %add3A_201 : i32 to index
        %get3A_203 = tpu.vector_load %arg7[%get3A_202] {strides = array<i32>} : memref<4096xi32, #tpu.memory_space<vmem>>, vector<16xi32>,
        %gather3A_204 = tpu.vector_load_idx %arg5[%get3A_203] : memref<100000xf32, #tpu.memory_space<vmem>>[vector<16xi32>], vector<16xf32>,
        %swap3A_205 = arith.index_cast %add3A_201 : i32 to index
        %swap3A_206 = tpu.vector_load %arg9[%swap3A_205] {strides = array<i32>} : memref<4096xf32, #tpu.memory_space<vmem>>, vector<16xf32>,
        tpu.vector_store %arg9[%swap3A_205], %gather3A_204 {strides = array<i32>} : memref<4096xf32, #tpu.memory_space<vmem>>, vector<16xf32>,
        %add3A_207 = arith.constant 128 : i32
        %add3A_208 = arith.addi %mul3A_153, %add3A_207 : i32
        %get3A_209 = arith.index_cast %add3A_208 : i32 to index
        %get3A_210 = tpu.vector_load %arg7[%get3A_209] {strides = array<i32>} : memref<4096xi32, #tpu.memory_space<vmem>>, vector<16xi32>,
        %gather3A_211 = tpu.vector_load_idx %arg5[%get3A_210] : memref<100000xf32, #tpu.memory_space<vmem>>[vector<16xi32>], vector<16xf32>,
        %swap3A_212 = arith.index_cast %add3A_208 : i32 to index
        %swap3A_213 = tpu.vector_load %arg9[%swap3A_212] {strides = array<i32>} : memref<4096xf32, #tpu.memory_space<vmem>>, vector<16xf32>,
        tpu.vector_store %arg9[%swap3A_212], %gather3A_211 {strides = array<i32>} : memref<4096xf32, #tpu.memory_space<vmem>>, vector<16xf32>,
        %add3A_214 = arith.constant 144 : i32
        %add3A_215 = arith.addi %mul3A_153, %add3A_214 : i32
        %get3A_216 = arith.index_cast %add3A_215 : i32 to index
        %get3A_217 = tpu.vector_load %arg7[%get3A_216] {strides = array<i32>} : memref<4096xi32, #tpu.memory_space<vmem>>, vector<16xi32>,
        %gather3A_218 = tpu.vector_load_idx %arg5[%get3A_217] : memref<100000xf32, #tpu.memory_space<vmem>>[vector<16xi32>], vector<16xf32>,
        %swap3A_219 = arith.index_cast %add3A_215 : i32 to index
        %swap3A_220 = tpu.vector_load %arg9[%swap3A_219] {strides = array<i32>} : memref<4096xf32, #tpu.memory_space<vmem>>, vector<16xf32>,
        tpu.vector_store %arg9[%swap3A_219], %gather3A_218 {strides = array<i32>} : memref<4096xf32, #tpu.memory_space<vmem>>, vector<16xf32>,
        %add3A_221 = arith.constant 160 : i32
        %add3A_222 = arith.addi %mul3A_153, %add3A_221 : i32
        %get3A_223 = arith.index_cast %add3A_222 : i32 to index
        %get3A_224 = tpu.vector_load %arg7[%get3A_223] {strides = array<i32>} : memref<4096xi32, #tpu.memory_space<vmem>>, vector<16xi32>,
        %gather3A_225 = tpu.vector_load_idx %arg5[%get3A_224] : memref<100000xf32, #tpu.memory_space<vmem>>[vector<16xi32>], vector<16xf32>,
        %swap3A_226 = arith.index_cast %add3A_222 : i32 to index
        %swap3A_227 = tpu.vector_load %arg9[%swap3A_226] {strides = array<i32>} : memref<4096xf32, #tpu.memory_space<vmem>>, vector<16xf32>,
        tpu.vector_store %arg9[%swap3A_226], %gather3A_225 {strides = array<i32>} : memref<4096xf32, #tpu.memory_space<vmem>>, vector<16xf32>,
        %add3A_228 = arith.constant 176 : i32
        %add3A_229 = arith.addi %mul3A_153, %add3A_228 : i32
        %get3A_230 = arith.index_cast %add3A_229 : i32 to index
        %get3A_231 = tpu.vector_load %arg7[%get3A_230] {strides = array<i32>} : memref<4096xi32, #tpu.memory_space<vmem>>, vector<16xi32>,
        %gather3A_232 = tpu.vector_load_idx %arg5[%get3A_231] : memref<100000xf32, #tpu.memory_space<vmem>>[vector<16xi32>], vector<16xf32>,
        %swap3A_233 = arith.index_cast %add3A_229 : i32 to index
        %swap3A_234 = tpu.vector_load %arg9[%swap3A_233] {strides = array<i32>} : memref<4096xf32, #tpu.memory_space<vmem>>, vector<16xf32>,
        tpu.vector_store %arg9[%swap3A_233], %gather3A_232 {strides = array<i32>} : memref<4096xf32, #tpu.memory_space<vmem>>, vector<16xf32>,
        %add3A_235 = arith.constant 192 : i32
        %add3A_236 = arith.addi %mul3A_153, %add3A_235 : i32
        %get3A_237 = arith.index_cast %add3A_236 : i32 to index
        %get3A_238 = tpu.vector_load %arg7[%get3A_237] {strides = array<i32>} : memref<4096xi32, #tpu.memory_space<vmem>>, vector<16xi32>,
        %gather3A_239 = tpu.vector_load_idx %arg5[%get3A_238] : memref<100000xf32, #tpu.memory_space<vmem>>[vector<16xi32>], vector<16xf32>,
        %swap3A_240 = arith.index_cast %add3A_236 : i32 to index
        %swap3A_241 = tpu.vector_load %arg9[%swap3A_240] {strides = array<i32>} : memref<4096xf32, #tpu.memory_space<vmem>>, vector<16xf32>,
        tpu.vector_store %arg9[%swap3A_240], %gather3A_239 {strides = array<i32>} : memref<4096xf32, #tpu.memory_space<vmem>>, vector<16xf32>,
        %add3A_242 = arith.constant 208 : i32
        %add3A_243 = arith.addi %mul3A_153, %add3A_242 : i32
        %get3A_244 = arith.index_cast %add3A_243 : i32 to index
        %get3A_245 = tpu.vector_load %arg7[%get3A_244] {strides = array<i32>} : memref<4096xi32, #tpu.memory_space<vmem>>, vector<16xi32>,
        %gather3A_246 = tpu.vector_load_idx %arg5[%get3A_245] : memref<100000xf32, #tpu.memory_space<vmem>>[vector<16xi32>], vector<16xf32>,
        %swap3A_247 = arith.index_cast %add3A_243 : i32 to index
        %swap3A_248 = tpu.vector_load %arg9[%swap3A_247] {strides = array<i32>} : memref<4096xf32, #tpu.memory_space<vmem>>, vector<16xf32>,
        tpu.vector_store %arg9[%swap3A_247], %gather3A_246 {strides = array<i32>} : memref<4096xf32, #tpu.memory_space<vmem>>, vector<16xf32>,
        %add3A_249 = arith.constant 224 : i32
        %add3A_250 = arith.addi %mul3A_153, %add3A_249 : i32
        %get3A_251 = arith.index_cast %add3A_250 : i32 to index
        %get3A_252 = tpu.vector_load %arg7[%get3A_251] {strides = array<i32>} : memref<4096xi32, #tpu.memory_space<vmem>>, vector<16xi32>,
        %gather3A_253 = tpu.vector_load_idx %arg5[%get3A_252] : memref<100000xf32, #tpu.memory_space<vmem>>[vector<16xi32>], vector<16xf32>,
        %swap3A_254 = arith.index_cast %add3A_250 : i32 to index
        %swap3A_255 = tpu.vector_load %arg9[%swap3A_254] {strides = array<i32>} : memref<4096xf32, #tpu.memory_space<vmem>>, vector<16xf32>,
        tpu.vector_store %arg9[%swap3A_254], %gather3A_253 {strides = array<i32>} : memref<4096xf32, #tpu.memory_space<vmem>>, vector<16xf32>,
        %add3A_256 = arith.constant 240 : i32
        %add3A_257 = arith.addi %mul3A_153, %add3A_256 : i32
        %get3A_258 = arith.index_cast %add3A_257 : i32 to index
        %get3A_259 = tpu.vector_load %arg7[%get3A_258] {strides = array<i32>} : memref<4096xi32, #tpu.memory_space<vmem>>, vector<16xi32>,
        %gather3A_260 = tpu.vector_load_idx %arg5[%get3A_259] : memref<100000xf32, #tpu.memory_space<vmem>>[vector<16xi32>], vector<16xf32>,
        %swap3A_261 = arith.index_cast %add3A_257 : i32 to index
        %swap3A_262 = tpu.vector_load %arg9[%swap3A_261] {strides = array<i32>} : memref<4096xf32, #tpu.memory_space<vmem>>, vector<16xf32>,
        tpu.vector_store %arg9[%swap3A_261], %gather3A_260 {strides = array<i32>} : memref<4096xf32, #tpu.memory_space<vmem>>, vector<16xf32>,
      }
      %scan3A_144 = arith.constant 16 : i32
      %dma_start3A_145 = arith.constant 12288 : i32
      %dma_start3A_146 = tpu.memref_slice %arg4[%add3A_30, %dma_start3A_145] : memref<832x16384xf32, #tpu.memory_space<hbm>> -> memref<1x4096xf32, #tpu.memory_space<hbm>>
      %dma_start3A_147 = tpu.memref_squeeze %dma_start3A_146 : memref<1x4096xf32, #tpu.memory_space<hbm>> -> memref<4096xf32, #tpu.memory_space<hbm>>
      %dma_start3A_148 = arith.constant 12288 : i32
      %dma_start3A_149 = tpu.memref_slice %arg4[%add3A_30, %dma_start3A_148] : memref<832x16384xf32, #tpu.memory_space<hbm>> -> memref<1x4096xf32, #tpu.memory_space<hbm>>
      %dma_start3A_150 = tpu.memref_squeeze %dma_start3A_149 : memref<1x4096xf32, #tpu.memory_space<hbm>> -> memref<4096xf32, #tpu.memory_space<hbm>>
      tpu.enqueue_dma source(%arg9 : memref<4096xf32, #tpu.memory_space<vmem>>) target(%dma_start3A_150 : memref<4096xf32, #tpu.memory_space<hbm>>) target_semaphore(%arg13 : memref<!tpu.dma_semaphore, #tpu.memory_space<semaphore_mem>>)
    }
    %scan3A_11 = arith.constant 26 : i32
    %add3A_12 = arith.constant 400 : i32
    %add3A_13 = arith.addi %mul3A_0, %add3A_12 : i32
    %add3A_14 = arith.addi %add3A_13, %arg1 : i32
    %dma_wait3A = arith.constant 8192 : i32
    %dma_wait3A_15 = tpu.memref_slice %arg4[%add3A_14, %dma_wait3A] : memref<832x16384xf32, #tpu.memory_space<hbm>> -> memref<1x4096xf32, #tpu.memory_space<hbm>>
    %dma_wait3A_16 = tpu.memref_squeeze %dma_wait3A_15 : memref<1x4096xf32, #tpu.memory_space<hbm>> -> memref<4096xf32, #tpu.memory_space<hbm>>
    %dma_wait3A_17 = arith.constant 8192 : i32
    %dma_wait3A_18 = tpu.memref_slice %arg4[%add3A_14, %dma_wait3A_17] : memref<832x16384xf32, #tpu.memory_space<hbm>> -> memref<1x4096xf32, #tpu.memory_space<hbm>>
    %dma_wait3A_19 = tpu.memref_squeeze %dma_wait3A_18 : memref<1x4096xf32, #tpu.memory_space<hbm>> -> memref<4096xf32, #tpu.memory_space<hbm>>
    tpu.wait_dma2 semaphore(%arg12 : memref<!tpu.dma_semaphore, #tpu.memory_space<semaphore_mem>>) src(%arg8 : memref<4096xf32, #tpu.memory_space<vmem>>) dst(%dma_wait3A_19 : memref<4096xf32, #tpu.memory_space<hbm>>)
    %dma_wait3A_20 = arith.constant 12288 : i32
    %dma_wait3A_21 = tpu.memref_slice %arg4[%add3A_14, %dma_wait3A_20] : memref<832x16384xf32, #tpu.memory_space<hbm>> -> memref<1x4096xf32, #tpu.memory_space<hbm>>
    %dma_wait3A_22 = tpu.memref_squeeze %dma_wait3A_21 : memref<1x4096xf32, #tpu.memory_space<hbm>> -> memref<4096xf32, #tpu.memory_space<hbm>>
    %dma_wait3A_23 = arith.constant 12288 : i32
    %dma_wait3A_24 = tpu.memref_slice %arg4[%add3A_14, %dma_wait3A_23] : memref<832x16384xf32, #tpu.memory_space<hbm>> -> memref<1x4096xf32, #tpu.memory_space<hbm>>
    %dma_wait3A_25 = tpu.memref_squeeze %dma_wait3A_24 : memref<1x4096xf32, #tpu.memory_space<hbm>> -> memref<4096xf32, #tpu.memory_space<hbm>>
    tpu.wait_dma2 semaphore(%arg13 : memref<!tpu.dma_semaphore, #tpu.memory_space<semaphore_mem>>) src(%arg9 : memref<4096xf32, #tpu.memory_space<vmem>>) dst(%dma_wait3A_25 : memref<4096xf32, #tpu.memory_space<hbm>>)
    return
  }
}

</mosaic_0001>

<sc_bundles>
// kernel: kernel.3.cloned.1.call-start
scs
__scs_entry_jumppad:
0x0: {  	(pc) =	sbr.rel $0x88, $3  }
0x1: {  	(tag) =	ssettag $0x0;
	lr =	simm.s32 $0x1  }
0x2: {  	[smem:$0x3F9F] =	sst lr;
	_ =	strace $0xD0000000  }
0x3: {  	_ = 	snop  }
0x4: {  	_ = 	snop  }
0x5: {  	_ = 	snop  }
0x6: {  	_ = 	snop  }
0x7: {  	_ = 	snop  }
__scs_overlays_trampoline_lowered:
0x8: {  	[smem:$0x3FAE] =	sst s0  }
0x9: {  	[smem:$0x3FAF] =	sst s1  }
0xa: {  	[smem:$0x3FB0] =	sst s2  }
0xb: {  	[smem:$0x3FB1] =	sst s3  }
0xc: {  	[smem:$0x3FB2] =	sst s4  }
0xd: {  	[smem:$0x3FB3] =	sst s5  }
0xe: {  	[smem:$0x3FB4] =	sst s6  }
0xf: {  	[smem:$0x3FB5] =	sst s7  }
0x10: {  	[smem:$0x3FB6] =	sst s8  }
0x11: {  	[smem:$0x3FB7] =	sst s9;
	s0 =	simm.s32 @!p0 $0x0  }
0x12: {  	s1 =	sld [smem:$0x3F9D];
	s0 =	simm.s32 @p0 $0x1  }
0x13: {  	[smem:$0x3FB8] =	sst s0;
	s0 =	simm.s32 @!p1 $0x0  }
0x14: {  	s2 =	sld [smem:$0x3F9C];
	s0 =	simm.s32 @p1 $0x1  }
0x15: {  	[smem:$0x3FB9] =	sst s0;
	s0 =	simm.s32 @!p2 $0x0  }
0x16: {  	s3 =	sld [smem:$0x3FDB];
	s0 =	simm.s32 @p2 $0x1  }
0x17: {  	s4 =	simm.s32 $0x1BF5;
	[smem:$0x3FBB] =	sst s0  }
0x18: {  	s0 =	sld [smem:$0x3F9E];
	_ =	swait.ge [sflag:s4], $0x0  }
0x19: {  	s7 =	sld [smem:$0x3F9F]  }
0x1a: {  	s8 =	sadd.s32 $0xFFFFE003, lr  }
0x1b: {  	s9 =	sadd.s32 $0xFFFFFEF7, lr;
	s5 =	simm.s32 $0xFFFFFFFF;
	p2 =	slt.u32 s8, $0xFFFFF086  }
0x1c: {  	p1 =	slt.u32 s9, $0xF7A;
	s5 =	simm.s32 @!p2 $0x0  }
0x1d: {  	s5 =	simm.s32 @p1 $0x1;
	p0 =	seq.s32 s7, s2  }
0x1e: {  	s7 =	smul.u32 @!p0 $0xF7A, s2;
	p2 =	seq.s32 @!p0 s5, $0x0  }
0x1f: {  	s9 =	smul.u32 $0xF7A, s1;
	s8 =	simm.s32 @!p0 $0x1BF5;
	p2 =	por !p2, p0  }
0x20: {  	[sflag:s8] =	ssyncset.s32 @!p0 $0xFFFFF086;
	s6 =	sadd.s32 @!p0 s3, s7;
	s7 =	simm.s32 @!p0 $0x108  }
0x21: {  	s3 =	sadd.s32 s3, s9;
	s6 =	sadd.s32 @!p0 $0x88, s6;
	s7 =	simm.s32 @p2 $0x1082  }
0x22: {  	[simem:s7], [sflag:s8] =	dma.local @!p0 [hbm:s6], $0xF7A  }
0x23: {  	s9 =	sor.u32 $0xD0000000, s2;
	s6 =	simm.s32 $0x108;
	_ =	swait.ge @!p0 [sflag:s8], $0x0  }
0x24: {  	s3 =	sadd.s32 $0x88, s3;
	s6 =	simm.s32 @!p1 $0x1082;
	[sflag:s4] =	ssyncset.s32 $0xFFFFF086  }
0x25: {  	[simem:s6], [sflag:s4] =	dma.local [hbm:s3], $0xF7A  }
0x26: {  	[smem:$0x3F9F] =	sst s1;
	(tag) =	ssettag s2;
	_ =	strace s9  }
0x27: {  	s1 =	sld [smem:$0x3FAF]  }
0x28: {  	s2 =	sld [smem:$0x3FB0]  }
0x29: {  	s4 =	sld [smem:$0x3FB2]  }
0x2a: {  	p0 =	seq.s32 s5, $0x0;
	s5 =	sld [smem:$0x3FB3]  }
0x2b: {  	s6 =	sld [smem:$0x3FB4]  }
0x2c: {  	s7 =	sld [smem:$0x3FB5]  }
0x2d: {  	s3 =	simm.s32 $0x108;
	s8 =	sld [smem:$0x3FB6]  }
0x2e: {  	s3 =	simm.s32 @!p0 $0x1082;
	s9 =	sld [smem:$0x3FB7]  }
0x2f: {  	lr =	sadd.s32 s0, s3;
	s0 =	sld [smem:$0x3FAE]  }
0x30: {  	s3 =	sld [smem:$0x3FB1]  }
0x31: {  	[smem:$0x3FBA] =	sst s10  }
0x32: {  	s10 =	sld [smem:$0x3FB8];
	_ =	sdelay $0x3  }
0x33: {  	p0 =	seq.s32 s10, $0x1;
	s10 =	sld [smem:$0x3FBA];
	_ =	sdelay $0x3  }
0x34: {  	[smem:$0x3FBA] =	sst s10  }
0x35: {  	s10 =	sld [smem:$0x3FB9];
	_ =	sdelay $0x3  }
0x36: {  	p1 =	seq.s32 s10, $0x1;
	s10 =	sld [smem:$0x3FBA];
	_ =	sdelay $0x3  }
0x37: {  	[smem:$0x3FBA] =	sst s10  }
0x38: {  	s10 =	sld [smem:$0x3FBB]  }
0x39: {  	_ = 	snop;
	(pc) =	sbr.ind lr, $3  }
0x3a: {  	_ = 	snop  }
0x3b: {  	_ = 	snop  }
0x3c: {  	p2 =	seq.s32 s10, $0x1;
	s10 =	sld [smem:$0x3FBA]  }
0x3d: {  	_ =	shalt  }
0x3e: {  	_ =	shalt  }
0x3f: {  	_ =	shalt  }
0x40: {  	_ =	shalt  }
0x41: {  	_ =	shalt  }
0x42: {  	_ =	shalt  }
0x43: {  	_ =	shalt  }
0x44: {  	_ =	shalt  }
0x45: {  	_ =	shalt  }
0x46: {  	_ =	shalt  }
0x47: {  	_ =	shalt  }
0x48: {  	_ =	shalt  }
0x49: {  	_ =	shalt  }
0x4a: {  	_ =	shalt  }
0x4b: {  	_ =	shalt  }
0x4c: {  	_ =	shalt  }
0x4d: {  	_ =	shalt  }
0x4e: {  	_ =	shalt  }
0x4f: {  	_ =	shalt  }
0x50: {  	_ =	shalt  }
0x51: {  	_ =	shalt  }
0x52: {  	_ =	shalt  }
0x53: {  	_ =	shalt  }
0x54: {  	_ =	shalt  }
0x55: {  	_ =	shalt  }
0x56: {  	_ =	shalt  }
0x57: {  	_ =	shalt  }
0x58: {  	_ =	shalt  }
0x59: {  	_ =	shalt  }
0x5a: {  	_ =	shalt  }
0x5b: {  	_ =	shalt  }
0x5c: {  	_ =	shalt  }
0x5d: {  	_ =	shalt  }
0x5e: {  	_ =	shalt  }
0x5f: {  	_ =	shalt  }
0x60: {  	_ =	shalt  }
0x61: {  	_ =	shalt  }
0x62: {  	_ =	shalt  }
0x63: {  	_ =	shalt  }
0x64: {  	_ =	shalt  }
0x65: {  	_ =	shalt  }
0x66: {  	_ =	shalt  }
0x67: {  	_ =	shalt  }
0x68: {  	_ =	shalt  }
0x69: {  	_ =	shalt  }
0x6a: {  	_ =	shalt  }
0x6b: {  	_ =	shalt  }
0x6c: {  	_ =	shalt  }
0x6d: {  	_ =	shalt  }
0x6e: {  	_ =	shalt  }
0x6f: {  	_ =	shalt  }
0x70: {  	_ =	shalt  }
0x71: {  	_ =	shalt  }
0x72: {  	_ =	shalt  }
0x73: {  	_ =	shalt  }
0x74: {  	_ =	shalt  }
0x75: {  	_ =	shalt  }
0x76: {  	_ =	shalt  }
0x77: {  	_ =	shalt  }
0x78: {  	_ =	shalt  }
0x79: {  	_ =	shalt  }
0x7a: {  	_ =	shalt  }
0x7b: {  	_ =	shalt  }
0x7c: {  	_ =	shalt  }
0x7d: {  	_ =	shalt  }
0x7e: {  	_ =	shalt  }
0x7f: {  	_ =	shalt  }
0x80: {  	_ =	shalt  }
0x81: {  	_ =	shalt  }
0x82: {  	_ =	shalt  }
0x83: {  	_ =	shalt  }
0x84: {  	_ =	shalt  }
0x85: {  	_ =	shalt  }
0x86: {  	_ =	shalt  }
0x87: {  	_ =	shalt  }
.Lfunc_end0:
.L_simem_size_0:
called_computation_lowered:
.L_overlay_start_0:
0x88: {  	s2 =	sld [smem:$0x3FD9]  }
0x89: {  	s3 =	sld [smem:$0x3FFE];
	_ =	sdelay $0x1  }
0x8a: {  	s1 =	srdreg.scid  }
0x8b: {  	s0 =	sand.u32 $0x1, s1  }
0x8c: {  	s18 =	sshll.u32 s0, $0xA;
	s2 =	sadd.s32 s3, s2  }
0x8d: {  	s2 =	sadd.s32 s2, s18  }
0x8e: {  	[smem:$0x3FC6] =	sst s2  }
0x8f: {  	_ = 	snop  }
0x90: {  	s2 =	sld [smem:$0x3FC9]  }
0x91: {  	s19 =	sld [smem:$0x3FC8]  }
0x92: {  	s4 =	sld [smem:$0x3FD0];
	(tm) =	ssettm $0x1  }
0x93: {  	s5 =	sld [smem:$0x3FFB];
	_ =	sdelay $0x3  }
0x94: {  	_ =	strace s5  }
0x95: {  	s5 =	sld [smem:$0x3FFC];
	_ =	sdelay $0x3  }
0x96: {  	_ =	strace s5  }
0x97: {  	s5 =	sld [smem:$0x3FFD];
	_ =	sdelay $0x3  }
0x98: {  	_ =	strace s5  }
0x99: {  	_ =	strace $0x8FFFFFFF  }
0x9a: {  	s20 =	sld [smem:$0x3FDB];
	_ =	sdelay $0x1  }
0x9b: {  	s6 =	simm.s32 $_scs_section_size  }
0x9c: {  	s7 =	simm.s32 $_size__tile_overlayer_lowered;
	s8 =	simm.s32 $_tile_overlayer_lowered  }
0x9d: {  	s23 =	simm.s32 $0x1BFF;
	s22 =	sshll.u32 s8, $0x1;
	s5 =	sadd.s32 s6, s20  }
0x9e: {  	s9 =	simm.s32 $0x0;
	s21 =	sshll.u32 s7, $0x1;
	s7 =	sadd.s32 s22, s5  }
0x9f: {  	[timem:s9], [sflag:s23] =	dma.local [hbm:s7], s21  }
0xa0: {  	_ =	swait.ge [sflag:s23], s21  }
0xa1: {  	s6 =	ssub.s32 $0x0, s21;
	[sflag:s23] =	ssyncset.done $0x0  }
0xa2: {  	[sflag:s23] =	ssyncadd.s32 s6;
	_ =	sdelay $0x1  }
0xa3: {  	s24 =	simm.s32 $0x1B8B  }
0xa4: {  	_ =	swait.ge [sflag:s24], $0x1  }
0xa5: {  	[sflag:s24] =	ssyncset.done $0x0  }
0xa6: {  	s25 =	simm.s32 $0x1B8E;
	[sflag:s24] =	ssyncadd.s32 $0xFFFFFFFF  }
0xa7: {  	s26 =	simm.s32 $execute0_lowered;
	[smem:$0x3FD2] =	sst s25  }
0xa8: {  	s6 =	sshll.u32 s26, $0x1;
	_ =	strace $0x80000046;
	[dreg:$0x1] =	wrdreg $0xFFFFFFFF  }
0xa9: {  	s28 =	simm.s32 $_size_execute0_lowered;
	s5 =	sadd.s32 s5, s6;
	[dreg:$0x0] =	wrdreg $0x0  }
0xaa: {  	s6 =	sshll.u32 s28, $0x1;
	[dreg:$0x2] =	wrdreg s5  }
0xab: {  	[dreg:$0x3] =	wrdreg s6  }
0xac: {  	[dreg:$0x4] =	wrdreg $0xC0  }
0xad: {  	_ =	task [dreg:s9], $0x5FFFF  }
0xae: {  	[dreg:$0x1] =	wrdreg $0xFFFFFFFF  }
0xaf: {  	[dreg:$0x0] =	wrdreg $0x60  }
0xb0: {  	[dreg:$0x2] =	wrdreg s2  }
0xb1: {  	[dreg:$0x3] =	wrdreg s19  }
0xb2: {  	[dreg:$0x4] =	wrdreg s4  }
0xb3: {  	[dreg:$0x5] =	wrdreg $0x9  }
0xb4: {  	_ =	task.clear_ibuf [dreg:s9], $0x6FFFF;
	_ =	strace $0x90000046  }
0xb5: {  	s29 =	simm.s32 $0x9;
	_ =	strace $0x80000048  }
0xb6: {  	_ =	swait.ge [sflag:s29], $0x1  }
0xb7: {  	[sflag:s29] =	ssyncadd.s32 $0xFFFFFFFF  }
0xb8: {  	_ =	strace $0x90000048  }
0xb9: {  	_ =	sfence  }
0xba: {  	s30 =	sld [smem:$0x0];
	_ =	sdelay $0x2  }
0xbb: {  	s31 =	sshll.u32 s1, $0xD;
	s1 =	sshrl.u32 s1, $0x2  }
0xbc: {  	s3 =	sand.u32 $0x4000, s31;
	s1 =	sadd.s32 s1, s30  }
0xbd: {  	s0 =	sor.u32 s3, s0;
	s1 =	sshll.u32 s1, $0x11  }
0xbe: {  	s0 =	sor.u32 s1, s0  }
0xbf: {  	s0 =	sadd.s32 $0x8F2B, s0  }
0xc0: {  	[sflag:s0] =	ssyncadd.remote.s32 $0x1  }
0xc1: {  	_ =	sfence.sel $0xFFFF  }
0xc2: {  	[dreg:$0x0] =	wrdreg $0xFFFFFFFF;
	(pc) =	sbr.abs _section_cstart, $3  }
0xc3: {  	[dreg:$0x1] =	wrdreg $0xFFFFFFFF  }
0xc4: {  	_ =	task.clear_ibuf [dreg:s9], $0x2FFFF;
	_ =	strace $0x9FFFFFFF  }
0xc5: {  	(tm) =	ssettm $0x7FFFFFFF  }
tec
execute0_lowered:
.L_overlay_start_1:
0x0: {  	(tag) =	ssettag $0x1  }
0x1: {  	s1 =	rddreg [dreg:$0x0]  }
0x2: {  	s2 =	rddreg [dreg:$0x1];
	s0 =	srdreg.scid  }
0x3: {  	s3 =	rddreg [dreg:$0x2];
	s4 =	simm.s32 $0x0;
	s16 =	simm.s32 $0x80  }
0x4: {  	s17 =	simm.s32 $0x400;
	s18 =	simm.s32 $0x18700;
	s19 =	simm.s32 $0x5  }
0x5: {  	s20 =	simm.s32 $0x1;
	s21 =	simm.s32 $0x19700;
	s22 =	simm.s32 $0x1A700  }
0x6: {  	s23 =	simm.s32 $0x2;
	s24 =	simm.s32 $0x1B700;
	s25 =	simm.s32 $0x3  }
0x7: {  	s26 =	simm.s32 $0x4;
	s0 =	sand.u32 $0x1, s0;
	[smem:$0x7FF] =	sst s4  }
0x8: {  	s10 =	sadd.s32 $0x2000, s1;
	s11 =	sadd.s32 $0x1000, s3;
	s12 =	sadd.s32 $0x2000, s3  }
0x9: {  	s13 =	sadd.s32 $0x3000, s1;
	s14 =	sadd.s32 $0x3000, s3;
	s5 =	smul.u32 $0x34000, s0  }
0xa: {  	s6 =	ssub.s32 $0x2, s0;
	s7 =	smul.u32 $0x280, s0;
	_ =	strace $0x80000047  }
0xb: {  	s8 =	sshrl.u32 s6, $0x1;
	s9 =	sand.u32 $0x20000, s5;
	s5 =	stileid.u32  }
0xc: {  	s15 =	ssub.s32 s6, s8;
	s6 =	smul.u32 $0x1A0, s0;
	s7 =	sor.u32 s7, s9  }
0xd: {  	s30 =	sshll.u32 s5, $0x7;
	s31 =	smax.u32 s15, $0x1;
	s29 =	sshrl.u32 s7, $0x3  }
0xe: {  	s9 =	sadd.s32 $0x1000, s1;
	[dreg:$0x5] =	wrdreg s31;
	s0 =	sadd.s32 s1, s29  }
0xf: {  	s8 =	sand.u32 $0x380, s30;
	s7 =	simm.s32 $0x0;
	[dreg:$0x4] =	wrdreg s0  }
.LBB2_1:
0x10: {  	[dreg:$0x6] =	wrdreg s7  }
0x11: {  	s0 =	rddreg [dreg:$0x4];
	s29 =	simm.s32 $0x0  }
0x12: {  	[tilespmem:s18], [sflag:$0x1] =	stream.strided.gather [hbm4b:s0+s16], $0x1000, s17, s16, $0x38;
	[tilespmem:$0x1C700] =	vst v63  }
.LBB2_2:
0x13: {  	s0 =	sshll.u32 s29, $0x4  }
0x14: {  	s30 =	sadd.s32 s6, s0  }
0x15: {  	s0 =	sor.u32 s5, s30  }
0x16: {  	s31 =	sshrl.u32 s0, $0x3  }
0x17: {  	s0 =	smul.u32 $0xC3800, s31;
	_ =	sdelay $0x1  }
0x18: {  	s0 =	sor.u32 s8, s0  }
0x19: {  	s0 =	sshrl.u32 s0, $0x3  }
0x1a: {  	s0 =	sadd.s32 s2, s0  }
0x1b: {  	[tilespmem:s4], [sflag:$0x5] =	stream.strided.gather [hbm4b:s0+s16], $0x18700, s17, s16, $0x38;
	[tilespmem:$0x1C700] =	vst v63  }
0x1c: {  	_ =	swait.ge [sflag:s19], $0x18700  }
0x1d: {  	[sflag:s19] =	ssyncset.done $0x0  }
0x1e: {  	[sflag:s19] =	ssyncadd.s32 $0xFFFE7900  }
0x1f: {  	p0 =	seq.s32 s29, $0x0;
	_ =	swait.ge [sflag:s20], $0x1000  }
0x20: {  	s15 =	simm.s32 @!p0 $0x3;
	[sflag:s20] =	ssyncset.done $0x0  }
0x21: {  	s7 =	sshrl.u32 s30, $0x1;
	s0 =	sshll.u32 s30, $0x6;
	[sflag:s20] =	ssyncadd.s32 $0xFFFFF000  }
0x22: {  	s7 =	sand.u32 $0x70, s7;
	s0 =	sand.u32 $0xC000, s0;
	_ =	swait.ge @!p0 [sflag:s15], $0x1000  }
0x23: {  	s0 =	sor.u32 s7, s0;
	[sflag:s15] =	ssyncset.done @!p0 $0x0  }
0x24: {  	s7 =	sadd.s32 s0, s9;
	[sflag:s15] =	ssyncadd.s32 @!p0 $0xFFFFF000  }
0x25: {  	[tilespmem:s21], [sflag:$0x2] =	stream.strided.gather [hbm4b:s7+s16], $0x1000, s17, s16, $0x38;
	[tilespmem:$0x1C700] =	vst v63  }
0x26: {  	s7 =	simm.s32 $0x0  }
0x27: {  	v0 =	vld [tilespmem:s7+$0x18700];
	_ =	sdelay $0x5  }
0x28: {  	v1 =	vld [tilespmem:s7+$0x18710];
	_ =	sdelay $0x1  }
0x29: {  	v0 =	vld.idx.msk [tilespmem:v0+s4+$0x0], $0xffff;
	_ =	sdelay $0x4  }
0x2a: {  	[tilespmem:s7+$0x1A700] =	vst v0;
	v0 =	vld [tilespmem:s7+$0x18720]  }
0x2b: {  	v1 =	vld.idx.msk [tilespmem:v1+s4+$0x0], $0xffff;
	_ =	sdelay $0x4  }
0x2c: {  	[tilespmem:s7+$0x1A710] =	vst v1;
	v1 =	vld [tilespmem:s7+$0x18730];
	_ =	sdelay $0x1  }
0x2d: {  	v0 =	vld.idx.msk [tilespmem:v0+s4+$0x0], $0xffff;
	_ =	sdelay $0x4  }
0x2e: {  	[tilespmem:s7+$0x1A720] =	vst v0;
	v0 =	vld [tilespmem:s7+$0x18740]  }
0x2f: {  	v1 =	vld.idx.msk [tilespmem:v1+s4+$0x0], $0xffff;
	_ =	sdelay $0x4  }
0x30: {  	[tilespmem:s7+$0x1A730] =	vst v1;
	v1 =	vld [tilespmem:s7+$0x18750];
	_ =	sdelay $0x1  }
0x31: {  	v0 =	vld.idx.msk [tilespmem:v0+s4+$0x0], $0xffff;
	_ =	sdelay $0x4  }
0x32: {  	[tilespmem:s7+$0x1A740] =	vst v0;
	v0 =	vld [tilespmem:s7+$0x18760]  }
0x33: {  	v1 =	vld.idx.msk [tilespmem:v1+s4+$0x0], $0xffff;
	_ =	sdelay $0x4  }
0x34: {  	[tilespmem:s7+$0x1A750] =	vst v1;
	v1 =	vld [tilespmem:s7+$0x18770];
	_ =	sdelay $0x1  }
0x35: {  	v0 =	vld.idx.msk [tilespmem:v0+s4+$0x0], $0xffff;
	_ =	sdelay $0x4  }
0x36: {  	[tilespmem:s7+$0x1A760] =	vst v0;
	v0 =	vld [tilespmem:s7+$0x18780]  }
0x37: {  	v1 =	vld.idx.msk [tilespmem:v1+s4+$0x0], $0xffff;
	_ =	sdelay $0x4  }
0x38: {  	[tilespmem:s7+$0x1A770] =	vst v1;
	v1 =	vld [tilespmem:s7+$0x18790];
	_ =	sdelay $0x1  }
0x39: {  	v0 =	vld.idx.msk [tilespmem:v0+s4+$0x0], $0xffff;
	_ =	sdelay $0x4  }
0x3a: {  	[tilespmem:s7+$0x1A780] =	vst v0;
	v0 =	vld [tilespmem:s7+$0x187A0]  }
0x3b: {  	v1 =	vld.idx.msk [tilespmem:v1+s4+$0x0], $0xffff;
	_ =	sdelay $0x4  }
0x3c: {  	[tilespmem:s7+$0x1A790] =	vst v1;
	v1 =	vld [tilespmem:s7+$0x187B0];
	_ =	sdelay $0x1  }
0x3d: {  	v0 =	vld.idx.msk [tilespmem:v0+s4+$0x0], $0xffff;
	_ =	sdelay $0x4  }
0x3e: {  	[tilespmem:s7+$0x1A7A0] =	vst v0;
	v0 =	vld [tilespmem:s7+$0x187C0]  }
0x3f: {  	v1 =	vld.idx.msk [tilespmem:v1+s4+$0x0], $0xffff;
	_ =	sdelay $0x4  }
0x40: {  	[tilespmem:s7+$0x1A7B0] =	vst v1;
	v1 =	vld [tilespmem:s7+$0x187D0];
	_ =	sdelay $0x1  }
0x41: {  	v0 =	vld.idx.msk [tilespmem:v0+s4+$0x0], $0xffff;
	_ =	sdelay $0x4  }
0x42: {  	v2 =	vld [tilespmem:s7+$0x187E0];
	[tilespmem:s7+$0x1A7C0] =	vst v0  }
0x43: {  	v0 =	vld.idx.msk [tilespmem:v1+s4+$0x0], $0xffff;
	_ =	sdelay $0x4  }
0x44: {  	[tilespmem:s7+$0x1A7D0] =	vst v0;
	v0 =	vld [tilespmem:s7+$0x187F0];
	_ =	sdelay $0x1  }
0x45: {  	v1 =	vld.idx.msk [tilespmem:v2+s4+$0x0], $0xffff;
	_ =	sdelay $0x3  }
0x46: {  	s28 =	simm.s32 $0x100;
	s15 =	simm.s32 $0x800  }
.LBB2_3:
0x47: {  	p1 =	sne.s32 s15, $0x3C00;
	v2 =	vld [tilespmem:s28+$0x18700];
	[tilespmem:s7+$0x1A7E0] =	vst v1  }
0x48: {  	v0 =	vld.idx.msk [tilespmem:v0+s4+$0x0], $0xffff;
	_ =	sdelay $0x5  }
0x49: {  	v1 =	vld [tilespmem:s28+$0x18710];
	[tilespmem:s7+$0x1A7F0] =	vst v0;
	s7 =	smov.u32 s28  }
0x4a: {  	v0 =	vld.idx.msk [tilespmem:v2+s4+$0x0], $0xffff;
	_ =	sdelay $0x5  }
0x4b: {  	[tilespmem:s7+$0x1A700] =	vst v0;
	v0 =	vld [tilespmem:s7+$0x18720]  }
0x4c: {  	v1 =	vld.idx.msk [tilespmem:v1+s4+$0x0], $0xffff;
	_ =	sdelay $0x5  }
0x4d: {  	[tilespmem:s7+$0x1A710] =	vst v1;
	v1 =	vld [tilespmem:s7+$0x18730]  }
0x4e: {  	v0 =	vld.idx.msk [tilespmem:v0+s4+$0x0], $0xffff;
	_ =	sdelay $0x5  }
0x4f: {  	[tilespmem:s7+$0x1A720] =	vst v0;
	v0 =	vld [tilespmem:s7+$0x18740]  }
0x50: {  	v1 =	vld.idx.msk [tilespmem:v1+s4+$0x0], $0xffff;
	_ =	sdelay $0x5  }
0x51: {  	[tilespmem:s7+$0x1A730] =	vst v1;
	v1 =	vld [tilespmem:s7+$0x18750]  }
0x52: {  	v0 =	vld.idx.msk [tilespmem:v0+s4+$0x0], $0xffff;
	_ =	sdelay $0x5  }
0x53: {  	[tilespmem:s7+$0x1A740] =	vst v0;
	v0 =	vld [tilespmem:s7+$0x18760]  }
0x54: {  	v1 =	vld.idx.msk [tilespmem:v1+s4+$0x0], $0xffff;
	_ =	sdelay $0x5  }
0x55: {  	[tilespmem:s7+$0x1A750] =	vst v1;
	v1 =	vld [tilespmem:s7+$0x18770]  }
0x56: {  	v0 =	vld.idx.msk [tilespmem:v0+s4+$0x0], $0xffff;
	_ =	sdelay $0x5  }
0x57: {  	[tilespmem:s7+$0x1A760] =	vst v0;
	v0 =	vld [tilespmem:s7+$0x18780]  }
0x58: {  	v1 =	vld.idx.msk [tilespmem:v1+s4+$0x0], $0xffff;
	_ =	sdelay $0x5  }
0x59: {  	[tilespmem:s7+$0x1A770] =	vst v1;
	v1 =	vld [tilespmem:s7+$0x18790]  }
0x5a: {  	v0 =	vld.idx.msk [tilespmem:v0+s4+$0x0], $0xffff;
	_ =	sdelay $0x5  }
0x5b: {  	[tilespmem:s7+$0x1A780] =	vst v0;
	v0 =	vld [tilespmem:s7+$0x187A0]  }
0x5c: {  	v1 =	vld.idx.msk [tilespmem:v1+s4+$0x0], $0xffff;
	_ =	sdelay $0x5  }
0x5d: {  	[tilespmem:s7+$0x1A790] =	vst v1;
	v1 =	vld [tilespmem:s7+$0x187B0]  }
0x5e: {  	v0 =	vld.idx.msk [tilespmem:v0+s4+$0x0], $0xffff;
	_ =	sdelay $0x5  }
0x5f: {  	[tilespmem:s7+$0x1A7A0] =	vst v0;
	v0 =	vld [tilespmem:s7+$0x187C0]  }
0x60: {  	v1 =	vld.idx.msk [tilespmem:v1+s4+$0x0], $0xffff;
	_ =	sdelay $0x5  }
0x61: {  	[tilespmem:s7+$0x1A7B0] =	vst v1;
	v1 =	vld [tilespmem:s7+$0x187D0]  }
0x62: {  	v0 =	vld.idx.msk [tilespmem:v0+s4+$0x0], $0xffff;
	_ =	sdelay $0x5  }
0x63: {  	[tilespmem:s7+$0x1A7C0] =	vst v0;
	v2 =	vld [tilespmem:s7+$0x187E0]  }
0x64: {  	v0 =	vld.idx.msk [tilespmem:v1+s4+$0x0], $0xffff;
	_ =	sdelay $0x5  }
0x65: {  	[tilespmem:s7+$0x1A7D0] =	vst v0;
	v0 =	vld [tilespmem:s7+$0x187F0]  }
0x66: {  	v1 =	vld.idx.msk [tilespmem:v2+s4+$0x0], $0xffff  }
.Ltmp0:
0x67: {  	(pc) =	sbr.rel @p1 .LBB2_3-.Ltmp0, $2  }
0x68: {  	_ =	sdelay $0x2  }
0x69: {  	s28 =	sshra.s32 s15, $0x2;
	s15 =	sadd.s32 $0x400, s15  }
0x6a: {  	_ =	sdelay $0x1  }
0x6b: {  	v2 =	vld [tilespmem:s28+$0x18700]  }
0x6c: {  	[tilespmem:s7+$0x1A7E0] =	vst v1  }
0x6d: {  	v0 =	vld.idx.msk [tilespmem:v0+s4+$0x0], $0xffff;
	_ =	sdelay $0x3  }
0x6e: {  	v1 =	vld [tilespmem:s28+$0x18710]  }
0x6f: {  	[tilespmem:s7+$0x1A7F0] =	vst v0  }
0x70: {  	v0 =	vld.idx.msk [tilespmem:v2+s4+$0x0], $0xffff;
	_ =	sdelay $0x4  }
0x71: {  	[tilespmem:s28+$0x1A700] =	vst v0;
	v0 =	vld [tilespmem:s28+$0x18720]  }
0x72: {  	v1 =	vld.idx.msk [tilespmem:v1+s4+$0x0], $0xffff;
	_ =	sdelay $0x4  }
0x73: {  	[tilespmem:s28+$0x1A710] =	vst v1;
	v1 =	vld [tilespmem:s28+$0x18730];
	_ =	sdelay $0x1  }
0x74: {  	v0 =	vld.idx.msk [tilespmem:v0+s4+$0x0], $0xffff;
	_ =	sdelay $0x4  }
0x75: {  	[tilespmem:s28+$0x1A720] =	vst v0;
	v0 =	vld [tilespmem:s28+$0x18740]  }
0x76: {  	v1 =	vld.idx.msk [tilespmem:v1+s4+$0x0], $0xffff;
	_ =	sdelay $0x4  }
0x77: {  	[tilespmem:s28+$0x1A730] =	vst v1;
	v1 =	vld [tilespmem:s28+$0x18750];
	_ =	sdelay $0x1  }
0x78: {  	v0 =	vld.idx.msk [tilespmem:v0+s4+$0x0], $0xffff;
	_ =	sdelay $0x4  }
0x79: {  	[tilespmem:s28+$0x1A740] =	vst v0;
	v0 =	vld [tilespmem:s28+$0x18760]  }
0x7a: {  	v1 =	vld.idx.msk [tilespmem:v1+s4+$0x0], $0xffff;
	_ =	sdelay $0x4  }
0x7b: {  	[tilespmem:s28+$0x1A750] =	vst v1;
	v1 =	vld [tilespmem:s28+$0x18770];
	_ =	sdelay $0x1  }
0x7c: {  	v0 =	vld.idx.msk [tilespmem:v0+s4+$0x0], $0xffff;
	_ =	sdelay $0x4  }
0x7d: {  	[tilespmem:s28+$0x1A760] =	vst v0;
	v0 =	vld [tilespmem:s28+$0x18780]  }
0x7e: {  	v1 =	vld.idx.msk [tilespmem:v1+s4+$0x0], $0xffff;
	_ =	sdelay $0x4  }
0x7f: {  	[tilespmem:s28+$0x1A770] =	vst v1;
	v1 =	vld [tilespmem:s28+$0x18790];
	_ =	sdelay $0x1  }
0x80: {  	v0 =	vld.idx.msk [tilespmem:v0+s4+$0x0], $0xffff;
	_ =	sdelay $0x4  }
0x81: {  	[tilespmem:s28+$0x1A780] =	vst v0;
	v0 =	vld [tilespmem:s28+$0x187A0]  }
0x82: {  	v1 =	vld.idx.msk [tilespmem:v1+s4+$0x0], $0xffff;
	_ =	sdelay $0x4  }
0x83: {  	[tilespmem:s28+$0x1A790] =	vst v1;
	v1 =	vld [tilespmem:s28+$0x187B0];
	_ =	sdelay $0x1  }
0x84: {  	v0 =	vld.idx.msk [tilespmem:v0+s4+$0x0], $0xffff;
	_ =	sdelay $0x4  }
0x85: {  	[tilespmem:s28+$0x1A7A0] =	vst v0;
	v0 =	vld [tilespmem:s28+$0x187C0]  }
0x86: {  	v1 =	vld.idx.msk [tilespmem:v1+s4+$0x0], $0xffff;
	_ =	sdelay $0x4  }
0x87: {  	[tilespmem:s28+$0x1A7B0] =	vst v1;
	v1 =	vld [tilespmem:s28+$0x187D0];
	_ =	sdelay $0x1  }
0x88: {  	v0 =	vld.idx.msk [tilespmem:v0+s4+$0x0], $0xffff;
	_ =	sdelay $0x4  }
0x89: {  	[tilespmem:s28+$0x1A7C0] =	vst v0;
	v0 =	vld [tilespmem:s28+$0x187E0]  }
0x8a: {  	v1 =	vld.idx.msk [tilespmem:v1+s4+$0x0], $0xffff;
	_ =	sdelay $0x4  }
0x8b: {  	[tilespmem:s28+$0x1A7D0] =	vst v1;
	v1 =	vld [tilespmem:s28+$0x187F0];
	_ =	sdelay $0x1  }
0x8c: {  	v0 =	vld.idx.msk [tilespmem:v0+s4+$0x0], $0xffff;
	_ =	sdelay $0x4  }
0x8d: {  	[tilespmem:s28+$0x1A7E0] =	vst v0  }
0x8e: {  	v0 =	vld.idx.msk [tilespmem:v1+s4+$0x0], $0xffff;
	_ =	sdelay $0x1  }
0x8f: {  	s15 =	sshll.u32 s31, $0x11  }
0x90: {  	s7 =	sor.u32 s8, s15  }
0x91: {  	s31 =	sshrl.u32 s7, $0x3  }
0x92: {  	s7 =	sadd.s32 s3, s31;
	[tilespmem:s28+$0x1A7F0] =	vst v0  }
0x93: {  	[hbm4b:s7+s16] =	stream.strided.scatter [tilespmem:s22], [sflag:$0x3], $0x1000, s17, s16, $0x38;
	[tilespmem:$0x1C700] =	vst v63  }
0x94: {  	_ =	swait.ge [sflag:s23], $0x1000  }
0x95: {  	[sflag:s23] =	ssyncset.done $0x0  }
0x96: {  	s7 =	simm.s32 @!p0 $0x4;
	[sflag:s23] =	ssyncadd.s32 $0xFFFFF000  }
0x97: {  	_ =	swait.ge @!p0 [sflag:s7], $0x1000  }
0x98: {  	[sflag:s7] =	ssyncset.done @!p0 $0x0  }
0x99: {  	s15 =	sadd.s32 s0, s10;
	[sflag:s7] =	ssyncadd.s32 @!p0 $0xFFFFF000;
	s7 =	simm.s32 $0x0  }
0x9a: {  	[tilespmem:s18], [sflag:$0x1] =	stream.strided.gather [hbm4b:s15+s16], $0x1000, s17, s16, $0x38;
	[tilespmem:$0x1C700] =	vst v63  }
0x9b: {  	v0 =	vld [tilespmem:s7+$0x19700];
	_ =	sdelay $0x5  }
0x9c: {  	v1 =	vld [tilespmem:s7+$0x19710];
	_ =	sdelay $0x1  }
0x9d: {  	v0 =	vld.idx.msk [tilespmem:v0+s4+$0x0], $0xffff;
	_ =	sdelay $0x4  }
0x9e: {  	[tilespmem:s7+$0x1B700] =	vst v0;
	v0 =	vld [tilespmem:s7+$0x19720]  }
0x9f: {  	v1 =	vld.idx.msk [tilespmem:v1+s4+$0x0], $0xffff;
	_ =	sdelay $0x4  }
0xa0: {  	[tilespmem:s7+$0x1B710] =	vst v1;
	v1 =	vld [tilespmem:s7+$0x19730];
	_ =	sdelay $0x1  }
0xa1: {  	v0 =	vld.idx.msk [tilespmem:v0+s4+$0x0], $0xffff;
	_ =	sdelay $0x4  }
0xa2: {  	[tilespmem:s7+$0x1B720] =	vst v0;
	v0 =	vld [tilespmem:s7+$0x19740]  }
0xa3: {  	v1 =	vld.idx.msk [tilespmem:v1+s4+$0x0], $0xffff;
	_ =	sdelay $0x4  }
0xa4: {  	[tilespmem:s7+$0x1B730] =	vst v1;
	v1 =	vld [tilespmem:s7+$0x19750];
	_ =	sdelay $0x1  }
0xa5: {  	v0 =	vld.idx.msk [tilespmem:v0+s4+$0x0], $0xffff;
	_ =	sdelay $0x4  }
0xa6: {  	[tilespmem:s7+$0x1B740] =	vst v0;
	v0 =	vld [tilespmem:s7+$0x19760]  }
0xa7: {  	v1 =	vld.idx.msk [tilespmem:v1+s4+$0x0], $0xffff;
	_ =	sdelay $0x4  }
0xa8: {  	[tilespmem:s7+$0x1B750] =	vst v1;
	v1 =	vld [tilespmem:s7+$0x19770];
	_ =	sdelay $0x1  }
0xa9: {  	v0 =	vld.idx.msk [tilespmem:v0+s4+$0x0], $0xffff;
	_ =	sdelay $0x4  }
0xaa: {  	[tilespmem:s7+$0x1B760] =	vst v0;
	v0 =	vld [tilespmem:s7+$0x19780]  }
0xab: {  	v1 =	vld.idx.msk [tilespmem:v1+s4+$0x0], $0xffff;
	_ =	sdelay $0x4  }
0xac: {  	[tilespmem:s7+$0x1B770] =	vst v1;
	v1 =	vld [tilespmem:s7+$0x19790];
	_ =	sdelay $0x1  }
0xad: {  	v0 =	vld.idx.msk [tilespmem:v0+s4+$0x0], $0xffff;
	_ =	sdelay $0x4  }
0xae: {  	[tilespmem:s7+$0x1B780] =	vst v0;
	v0 =	vld [tilespmem:s7+$0x197A0]  }
0xaf: {  	v1 =	vld.idx.msk [tilespmem:v1+s4+$0x0], $0xffff;
	_ =	sdelay $0x4  }
0xb0: {  	[tilespmem:s7+$0x1B790] =	vst v1;
	v1 =	vld [tilespmem:s7+$0x197B0];
	_ =	sdelay $0x1  }
0xb1: {  	v0 =	vld.idx.msk [tilespmem:v0+s4+$0x0], $0xffff;
	_ =	sdelay $0x4  }
0xb2: {  	[tilespmem:s7+$0x1B7A0] =	vst v0;
	v0 =	vld [tilespmem:s7+$0x197C0]  }
0xb3: {  	v1 =	vld.idx.msk [tilespmem:v1+s4+$0x0], $0xffff;
	_ =	sdelay $0x4  }
0xb4: {  	[tilespmem:s7+$0x1B7B0] =	vst v1;
	v1 =	vld [tilespmem:s7+$0x197D0];
	_ =	sdelay $0x1  }
0xb5: {  	v0 =	vld.idx.msk [tilespmem:v0+s4+$0x0], $0xffff;
	_ =	sdelay $0x4  }
0xb6: {  	v2 =	vld [tilespmem:s7+$0x197E0];
	[tilespmem:s7+$0x1B7C0] =	vst v0  }
0xb7: {  	v0 =	vld.idx.msk [tilespmem:v1+s4+$0x0], $0xffff;
	_ =	sdelay $0x4  }
0xb8: {  	[tilespmem:s7+$0x1B7D0] =	vst v0;
	v0 =	vld [tilespmem:s7+$0x197F0];
	_ =	sdelay $0x1  }
0xb9: {  	v1 =	vld.idx.msk [tilespmem:v2+s4+$0x0], $0xffff;
	_ =	sdelay $0x3  }
0xba: {  	s28 =	simm.s32 $0x100;
	s15 =	simm.s32 $0x800  }
.LBB2_5:
0xbb: {  	p0 =	sne.s32 s15, $0x3C00;
	v2 =	vld [tilespmem:s28+$0x19700];
	[tilespmem:s7+$0x1B7E0] =	vst v1  }
0xbc: {  	v0 =	vld.idx.msk [tilespmem:v0+s4+$0x0], $0xffff;
	_ =	sdelay $0x5  }
0xbd: {  	v1 =	vld [tilespmem:s28+$0x19710];
	[tilespmem:s7+$0x1B7F0] =	vst v0;
	s7 =	smov.u32 s28  }
0xbe: {  	v0 =	vld.idx.msk [tilespmem:v2+s4+$0x0], $0xffff;
	_ =	sdelay $0x5  }
0xbf: {  	[tilespmem:s7+$0x1B700] =	vst v0;
	v0 =	vld [tilespmem:s7+$0x19720]  }
0xc0: {  	v1 =	vld.idx.msk [tilespmem:v1+s4+$0x0], $0xffff;
	_ =	sdelay $0x5  }
0xc1: {  	[tilespmem:s7+$0x1B710] =	vst v1;
	v1 =	vld [tilespmem:s7+$0x19730]  }
0xc2: {  	v0 =	vld.idx.msk [tilespmem:v0+s4+$0x0], $0xffff;
	_ =	sdelay $0x5  }
0xc3: {  	[tilespmem:s7+$0x1B720] =	vst v0;
	v0 =	vld [tilespmem:s7+$0x19740]  }
0xc4: {  	v1 =	vld.idx.msk [tilespmem:v1+s4+$0x0], $0xffff;
	_ =	sdelay $0x5  }
0xc5: {  	[tilespmem:s7+$0x1B730] =	vst v1;
	v1 =	vld [tilespmem:s7+$0x19750]  }
0xc6: {  	v0 =	vld.idx.msk [tilespmem:v0+s4+$0x0], $0xffff;
	_ =	sdelay $0x5  }
0xc7: {  	[tilespmem:s7+$0x1B740] =	vst v0;
	v0 =	vld [tilespmem:s7+$0x19760]  }
0xc8: {  	v1 =	vld.idx.msk [tilespmem:v1+s4+$0x0], $0xffff;
	_ =	sdelay $0x5  }
0xc9: {  	[tilespmem:s7+$0x1B750] =	vst v1;
	v1 =	vld [tilespmem:s7+$0x19770]  }
0xca: {  	v0 =	vld.idx.msk [tilespmem:v0+s4+$0x0], $0xffff;
	_ =	sdelay $0x5  }
0xcb: {  	[tilespmem:s7+$0x1B760] =	vst v0;
	v0 =	vld [tilespmem:s7+$0x19780]  }
0xcc: {  	v1 =	vld.idx.msk [tilespmem:v1+s4+$0x0], $0xffff;
	_ =	sdelay $0x5  }
0xcd: {  	[tilespmem:s7+$0x1B770] =	vst v1;
	v1 =	vld [tilespmem:s7+$0x19790]  }
0xce: {  	v0 =	vld.idx.msk [tilespmem:v0+s4+$0x0], $0xffff;
	_ =	sdelay $0x5  }
0xcf: {  	[tilespmem:s7+$0x1B780] =	vst v0;
	v0 =	vld [tilespmem:s7+$0x197A0]  }
0xd0: {  	v1 =	vld.idx.msk [tilespmem:v1+s4+$0x0], $0xffff;
	_ =	sdelay $0x5  }
0xd1: {  	[tilespmem:s7+$0x1B790] =	vst v1;
	v1 =	vld [tilespmem:s7+$0x197B0]  }
0xd2: {  	v0 =	vld.idx.msk [tilespmem:v0+s4+$0x0], $0xffff;
	_ =	sdelay $0x5  }
0xd3: {  	[tilespmem:s7+$0x1B7A0] =	vst v0;
	v0 =	vld [tilespmem:s7+$0x197C0]  }
0xd4: {  	v1 =	vld.idx.msk [tilespmem:v1+s4+$0x0], $0xffff;
	_ =	sdelay $0x5  }
0xd5: {  	[tilespmem:s7+$0x1B7B0] =	vst v1;
	v1 =	vld [tilespmem:s7+$0x197D0]  }
0xd6: {  	v0 =	vld.idx.msk [tilespmem:v0+s4+$0x0], $0xffff;
	_ =	sdelay $0x5  }
0xd7: {  	[tilespmem:s7+$0x1B7C0] =	vst v0;
	v2 =	vld [tilespmem:s7+$0x197E0]  }
0xd8: {  	v0 =	vld.idx.msk [tilespmem:v1+s4+$0x0], $0xffff;
	_ =	sdelay $0x5  }
0xd9: {  	[tilespmem:s7+$0x1B7D0] =	vst v0;
	v0 =	vld [tilespmem:s7+$0x197F0]  }
0xda: {  	v1 =	vld.idx.msk [tilespmem:v2+s4+$0x0], $0xffff  }
.Ltmp1:
0xdb: {  	(pc) =	sbr.rel @p0 .LBB2_5-.Ltmp1, $2  }
0xdc: {  	_ =	sdelay $0x2  }
0xdd: {  	s28 =	sshra.s32 s15, $0x2;
	s15 =	sadd.s32 $0x400, s15  }
0xde: {  	_ =	sdelay $0x1  }
0xdf: {  	v2 =	vld [tilespmem:s28+$0x19700]  }
0xe0: {  	[tilespmem:s7+$0x1B7E0] =	vst v1  }
0xe1: {  	v0 =	vld.idx.msk [tilespmem:v0+s4+$0x0], $0xffff;
	_ =	sdelay $0x3  }
0xe2: {  	v1 =	vld [tilespmem:s28+$0x19710]  }
0xe3: {  	[tilespmem:s7+$0x1B7F0] =	vst v0  }
0xe4: {  	v0 =	vld.idx.msk [tilespmem:v2+s4+$0x0], $0xffff;
	_ =	sdelay $0x4  }
0xe5: {  	[tilespmem:s28+$0x1B700] =	vst v0;
	v0 =	vld [tilespmem:s28+$0x19720]  }
0xe6: {  	v1 =	vld.idx.msk [tilespmem:v1+s4+$0x0], $0xffff;
	_ =	sdelay $0x4  }
0xe7: {  	[tilespmem:s28+$0x1B710] =	vst v1;
	v1 =	vld [tilespmem:s28+$0x19730];
	_ =	sdelay $0x1  }
0xe8: {  	v0 =	vld.idx.msk [tilespmem:v0+s4+$0x0], $0xffff;
	_ =	sdelay $0x4  }
0xe9: {  	[tilespmem:s28+$0x1B720] =	vst v0;
	v0 =	vld [tilespmem:s28+$0x19740]  }
0xea: {  	v1 =	vld.idx.msk [tilespmem:v1+s4+$0x0], $0xffff;
	_ =	sdelay $0x4  }
0xeb: {  	[tilespmem:s28+$0x1B730] =	vst v1;
	v1 =	vld [tilespmem:s28+$0x19750];
	_ =	sdelay $0x1  }
0xec: {  	v0 =	vld.idx.msk [tilespmem:v0+s4+$0x0], $0xffff;
	_ =	sdelay $0x4  }
0xed: {  	[tilespmem:s28+$0x1B740] =	vst v0;
	v0 =	vld [tilespmem:s28+$0x19760]  }
0xee: {  	v1 =	vld.idx.msk [tilespmem:v1+s4+$0x0], $0xffff;
	_ =	sdelay $0x4  }
0xef: {  	[tilespmem:s28+$0x1B750] =	vst v1;
	v1 =	vld [tilespmem:s28+$0x19770];
	_ =	sdelay $0x1  }
0xf0: {  	v0 =	vld.idx.msk [tilespmem:v0+s4+$0x0], $0xffff;
	_ =	sdelay $0x4  }
0xf1: {  	[tilespmem:s28+$0x1B760] =	vst v0;
	v0 =	vld [tilespmem:s28+$0x19780]  }
0xf2: {  	v1 =	vld.idx.msk [tilespmem:v1+s4+$0x0], $0xffff;
	_ =	sdelay $0x4  }
0xf3: {  	[tilespmem:s28+$0x1B770] =	vst v1;
	v1 =	vld [tilespmem:s28+$0x19790];
	_ =	sdelay $0x1  }
0xf4: {  	v0 =	vld.idx.msk [tilespmem:v0+s4+$0x0], $0xffff;
	_ =	sdelay $0x4  }
0xf5: {  	[tilespmem:s28+$0x1B780] =	vst v0;
	v0 =	vld [tilespmem:s28+$0x197A0]  }
0xf6: {  	v1 =	vld.idx.msk [tilespmem:v1+s4+$0x0], $0xffff;
	_ =	sdelay $0x4  }
0xf7: {  	[tilespmem:s28+$0x1B790] =	vst v1;
	v1 =	vld [tilespmem:s28+$0x197B0];
	_ =	sdelay $0x1  }
0xf8: {  	v0 =	vld.idx.msk [tilespmem:v0+s4+$0x0], $0xffff;
	_ =	sdelay $0x4  }
0xf9: {  	[tilespmem:s28+$0x1B7A0] =	vst v0;
	v0 =	vld [tilespmem:s28+$0x197C0]  }
0xfa: {  	v1 =	vld.idx.msk [tilespmem:v1+s4+$0x0], $0xffff;
	_ =	sdelay $0x4  }
0xfb: {  	[tilespmem:s28+$0x1B7B0] =	vst v1;
	v1 =	vld [tilespmem:s28+$0x197D0];
	_ =	sdelay $0x1  }
0xfc: {  	v0 =	vld.idx.msk [tilespmem:v0+s4+$0x0], $0xffff;
	_ =	sdelay $0x4  }
0xfd: {  	[tilespmem:s28+$0x1B7C0] =	vst v0;
	v0 =	vld [tilespmem:s28+$0x197E0]  }
0xfe: {  	v1 =	vld.idx.msk [tilespmem:v1+s4+$0x0], $0xffff;
	_ =	sdelay $0x4  }
0xff: {  	[tilespmem:s28+$0x1B7D0] =	vst v1;
	v1 =	vld [tilespmem:s28+$0x197F0];
	_ =	sdelay $0x1  }
0x100: {  	v0 =	vld.idx.msk [tilespmem:v0+s4+$0x0], $0xffff;
	_ =	sdelay $0x4  }
0x101: {  	[tilespmem:s28+$0x1B7E0] =	vst v0  }
0x102: {  	v0 =	vld.idx.msk [tilespmem:v1+s4+$0x0], $0xffff;
	_ =	sdelay $0x4  }
0x103: {  	s15 =	sadd.s32 s31, s11;
	[tilespmem:s28+$0x1B7F0] =	vst v0  }
0x104: {  	[hbm4b:s15+s16] =	stream.strided.scatter [tilespmem:s24], [sflag:$0x4], $0x1000, s17, s16, $0x38;
	[tilespmem:$0x1C700] =	vst v63  }
0x105: {  	_ =	swait.ge [sflag:s20], $0x1000  }
0x106: {  	[sflag:s20] =	ssyncset.done $0x0  }
0x107: {  	[sflag:s20] =	ssyncadd.s32 $0xFFFFF000  }
0x108: {  	_ =	swait.ge [sflag:s25], $0x1000  }
0x109: {  	[sflag:s25] =	ssyncset.done $0x0  }
0x10a: {  	s0 =	sadd.s32 s0, s13;
	s7 =	simm.s32 $0x0;
	[sflag:s25] =	ssyncadd.s32 $0xFFFFF000  }
0x10b: {  	[tilespmem:s21], [sflag:$0x2] =	stream.strided.gather [hbm4b:s0+s16], $0x1000, s17, s16, $0x38;
	[tilespmem:$0x1C700] =	vst v63  }
0x10c: {  	v0 =	vld [tilespmem:s7+$0x18700];
	_ =	sdelay $0x5  }
0x10d: {  	v1 =	vld [tilespmem:s7+$0x18710];
	_ =	sdelay $0x1  }
0x10e: {  	v0 =	vld.idx.msk [tilespmem:v0+s4+$0x0], $0xffff;
	_ =	sdelay $0x4  }
0x10f: {  	[tilespmem:s7+$0x1A700] =	vst v0;
	v0 =	vld [tilespmem:s7+$0x18720]  }
0x110: {  	v1 =	vld.idx.msk [tilespmem:v1+s4+$0x0], $0xffff;
	_ =	sdelay $0x4  }
0x111: {  	[tilespmem:s7+$0x1A710] =	vst v1;
	v1 =	vld [tilespmem:s7+$0x18730];
	_ =	sdelay $0x1  }
0x112: {  	v0 =	vld.idx.msk [tilespmem:v0+s4+$0x0], $0xffff;
	_ =	sdelay $0x4  }
0x113: {  	[tilespmem:s7+$0x1A720] =	vst v0;
	v0 =	vld [tilespmem:s7+$0x18740]  }
0x114: {  	v1 =	vld.idx.msk [tilespmem:v1+s4+$0x0], $0xffff;
	_ =	sdelay $0x4  }
0x115: {  	[tilespmem:s7+$0x1A730] =	vst v1;
	v1 =	vld [tilespmem:s7+$0x18750];
	_ =	sdelay $0x1  }
0x116: {  	v0 =	vld.idx.msk [tilespmem:v0+s4+$0x0], $0xffff;
	_ =	sdelay $0x4  }
0x117: {  	[tilespmem:s7+$0x1A740] =	vst v0;
	v0 =	vld [tilespmem:s7+$0x18760]  }
0x118: {  	v1 =	vld.idx.msk [tilespmem:v1+s4+$0x0], $0xffff;
	_ =	sdelay $0x4  }
0x119: {  	[tilespmem:s7+$0x1A750] =	vst v1;
	v1 =	vld [tilespmem:s7+$0x18770];
	_ =	sdelay $0x1  }
0x11a: {  	v0 =	vld.idx.msk [tilespmem:v0+s4+$0x0], $0xffff;
	_ =	sdelay $0x4  }
0x11b: {  	[tilespmem:s7+$0x1A760] =	vst v0;
	v0 =	vld [tilespmem:s7+$0x18780]  }
0x11c: {  	v1 =	vld.idx.msk [tilespmem:v1+s4+$0x0], $0xffff;
	_ =	sdelay $0x4  }
0x11d: {  	[tilespmem:s7+$0x1A770] =	vst v1;
	v1 =	vld [tilespmem:s7+$0x18790];
	_ =	sdelay $0x1  }
0x11e: {  	v0 =	vld.idx.msk [tilespmem:v0+s4+$0x0], $0xffff;
	_ =	sdelay $0x4  }
0x11f: {  	[tilespmem:s7+$0x1A780] =	vst v0;
	v0 =	vld [tilespmem:s7+$0x187A0]  }
0x120: {  	v1 =	vld.idx.msk [tilespmem:v1+s4+$0x0], $0xffff;
	_ =	sdelay $0x4  }
0x121: {  	[tilespmem:s7+$0x1A790] =	vst v1;
	v1 =	vld [tilespmem:s7+$0x187B0];
	_ =	sdelay $0x1  }
0x122: {  	v0 =	vld.idx.msk [tilespmem:v0+s4+$0x0], $0xffff;
	_ =	sdelay $0x4  }
0x123: {  	[tilespmem:s7+$0x1A7A0] =	vst v0;
	v0 =	vld [tilespmem:s7+$0x187C0]  }
0x124: {  	v1 =	vld.idx.msk [tilespmem:v1+s4+$0x0], $0xffff;
	_ =	sdelay $0x4  }
0x125: {  	[tilespmem:s7+$0x1A7B0] =	vst v1;
	v1 =	vld [tilespmem:s7+$0x187D0];
	_ =	sdelay $0x1  }
0x126: {  	v0 =	vld.idx.msk [tilespmem:v0+s4+$0x0], $0xffff;
	_ =	sdelay $0x4  }
0x127: {  	v2 =	vld [tilespmem:s7+$0x187E0];
	[tilespmem:s7+$0x1A7C0] =	vst v0  }
0x128: {  	v0 =	vld.idx.msk [tilespmem:v1+s4+$0x0], $0xffff;
	_ =	sdelay $0x4  }
0x129: {  	[tilespmem:s7+$0x1A7D0] =	vst v0;
	v0 =	vld [tilespmem:s7+$0x187F0];
	_ =	sdelay $0x1  }
0x12a: {  	v1 =	vld.idx.msk [tilespmem:v2+s4+$0x0], $0xffff;
	_ =	sdelay $0x3  }
0x12b: {  	s28 =	simm.s32 $0x100;
	s15 =	simm.s32 $0x800;
	s0 =	sadd.s32 s31, s12  }
.LBB2_7:
0x12c: {  	p0 =	sne.s32 s15, $0x3C00;
	v2 =	vld [tilespmem:s28+$0x18700];
	[tilespmem:s7+$0x1A7E0] =	vst v1  }
0x12d: {  	v0 =	vld.idx.msk [tilespmem:v0+s4+$0x0], $0xffff;
	_ =	sdelay $0x5  }
0x12e: {  	v1 =	vld [tilespmem:s28+$0x18710];
	[tilespmem:s7+$0x1A7F0] =	vst v0;
	s7 =	smov.u32 s28  }
0x12f: {  	v0 =	vld.idx.msk [tilespmem:v2+s4+$0x0], $0xffff;
	_ =	sdelay $0x5  }
0x130: {  	[tilespmem:s7+$0x1A700] =	vst v0;
	v0 =	vld [tilespmem:s7+$0x18720]  }
0x131: {  	v1 =	vld.idx.msk [tilespmem:v1+s4+$0x0], $0xffff;
	_ =	sdelay $0x5  }
0x132: {  	[tilespmem:s7+$0x1A710] =	vst v1;
	v1 =	vld [tilespmem:s7+$0x18730]  }
0x133: {  	v0 =	vld.idx.msk [tilespmem:v0+s4+$0x0], $0xffff;
	_ =	sdelay $0x5  }
0x134: {  	[tilespmem:s7+$0x1A720] =	vst v0;
	v0 =	vld [tilespmem:s7+$0x18740]  }
0x135: {  	v1 =	vld.idx.msk [tilespmem:v1+s4+$0x0], $0xffff;
	_ =	sdelay $0x5  }
0x136: {  	[tilespmem:s7+$0x1A730] =	vst v1;
	v1 =	vld [tilespmem:s7+$0x18750]  }
0x137: {  	v0 =	vld.idx.msk [tilespmem:v0+s4+$0x0], $0xffff;
	_ =	sdelay $0x5  }
0x138: {  	[tilespmem:s7+$0x1A740] =	vst v0;
	v0 =	vld [tilespmem:s7+$0x18760]  }
0x139: {  	v1 =	vld.idx.msk [tilespmem:v1+s4+$0x0], $0xffff;
	_ =	sdelay $0x5  }
0x13a: {  	[tilespmem:s7+$0x1A750] =	vst v1;
	v1 =	vld [tilespmem:s7+$0x18770]  }
0x13b: {  	v0 =	vld.idx.msk [tilespmem:v0+s4+$0x0], $0xffff;
	_ =	sdelay $0x5  }
0x13c: {  	[tilespmem:s7+$0x1A760] =	vst v0;
	v0 =	vld [tilespmem:s7+$0x18780]  }
0x13d: {  	v1 =	vld.idx.msk [tilespmem:v1+s4+$0x0], $0xffff;
	_ =	sdelay $0x5  }
0x13e: {  	[tilespmem:s7+$0x1A770] =	vst v1;
	v1 =	vld [tilespmem:s7+$0x18790]  }
0x13f: {  	v0 =	vld.idx.msk [tilespmem:v0+s4+$0x0], $0xffff;
	_ =	sdelay $0x5  }
0x140: {  	[tilespmem:s7+$0x1A780] =	vst v0;
	v0 =	vld [tilespmem:s7+$0x187A0]  }
0x141: {  	v1 =	vld.idx.msk [tilespmem:v1+s4+$0x0], $0xffff;
	_ =	sdelay $0x5  }
0x142: {  	[tilespmem:s7+$0x1A790] =	vst v1;
	v1 =	vld [tilespmem:s7+$0x187B0]  }
0x143: {  	v0 =	vld.idx.msk [tilespmem:v0+s4+$0x0], $0xffff;
	_ =	sdelay $0x5  }
0x144: {  	[tilespmem:s7+$0x1A7A0] =	vst v0;
	v0 =	vld [tilespmem:s7+$0x187C0]  }
0x145: {  	v1 =	vld.idx.msk [tilespmem:v1+s4+$0x0], $0xffff;
	_ =	sdelay $0x5  }
0x146: {  	[tilespmem:s7+$0x1A7B0] =	vst v1;
	v1 =	vld [tilespmem:s7+$0x187D0]  }
0x147: {  	v0 =	vld.idx.msk [tilespmem:v0+s4+$0x0], $0xffff;
	_ =	sdelay $0x5  }
0x148: {  	[tilespmem:s7+$0x1A7C0] =	vst v0;
	v2 =	vld [tilespmem:s7+$0x187E0]  }
0x149: {  	v0 =	vld.idx.msk [tilespmem:v1+s4+$0x0], $0xffff;
	_ =	sdelay $0x5  }
0x14a: {  	[tilespmem:s7+$0x1A7D0] =	vst v0;
	v0 =	vld [tilespmem:s7+$0x187F0]  }
0x14b: {  	v1 =	vld.idx.msk [tilespmem:v2+s4+$0x0], $0xffff  }
.Ltmp2:
0x14c: {  	(pc) =	sbr.rel @p0 .LBB2_7-.Ltmp2, $2  }
0x14d: {  	_ =	sdelay $0x2  }
0x14e: {  	s28 =	sshra.s32 s15, $0x2;
	s15 =	sadd.s32 $0x400, s15  }
0x14f: {  	_ =	sdelay $0x1  }
0x150: {  	v2 =	vld [tilespmem:s28+$0x18700]  }
0x151: {  	[tilespmem:s7+$0x1A7E0] =	vst v1  }
0x152: {  	v0 =	vld.idx.msk [tilespmem:v0+s4+$0x0], $0xffff;
	_ =	sdelay $0x3  }
0x153: {  	v1 =	vld [tilespmem:s28+$0x18710]  }
0x154: {  	[tilespmem:s7+$0x1A7F0] =	vst v0  }
0x155: {  	v0 =	vld.idx.msk [tilespmem:v2+s4+$0x0], $0xffff;
	_ =	sdelay $0x4  }
0x156: {  	[tilespmem:s28+$0x1A700] =	vst v0;
	v0 =	vld [tilespmem:s28+$0x18720]  }
0x157: {  	v1 =	vld.idx.msk [tilespmem:v1+s4+$0x0], $0xffff;
	_ =	sdelay $0x4  }
0x158: {  	[tilespmem:s28+$0x1A710] =	vst v1;
	v1 =	vld [tilespmem:s28+$0x18730];
	_ =	sdelay $0x1  }
0x159: {  	v0 =	vld.idx.msk [tilespmem:v0+s4+$0x0], $0xffff;
	_ =	sdelay $0x4  }
0x15a: {  	[tilespmem:s28+$0x1A720] =	vst v0;
	v0 =	vld [tilespmem:s28+$0x18740]  }
0x15b: {  	v1 =	vld.idx.msk [tilespmem:v1+s4+$0x0], $0xffff;
	_ =	sdelay $0x4  }
0x15c: {  	[tilespmem:s28+$0x1A730] =	vst v1;
	v1 =	vld [tilespmem:s28+$0x18750];
	_ =	sdelay $0x1  }
0x15d: {  	v0 =	vld.idx.msk [tilespmem:v0+s4+$0x0], $0xffff;
	_ =	sdelay $0x4  }
0x15e: {  	[tilespmem:s28+$0x1A740] =	vst v0;
	v0 =	vld [tilespmem:s28+$0x18760]  }
0x15f: {  	v1 =	vld.idx.msk [tilespmem:v1+s4+$0x0], $0xffff;
	_ =	sdelay $0x4  }
0x160: {  	[tilespmem:s28+$0x1A750] =	vst v1;
	v1 =	vld [tilespmem:s28+$0x18770];
	_ =	sdelay $0x1  }
0x161: {  	v0 =	vld.idx.msk [tilespmem:v0+s4+$0x0], $0xffff;
	_ =	sdelay $0x4  }
0x162: {  	[tilespmem:s28+$0x1A760] =	vst v0;
	v0 =	vld [tilespmem:s28+$0x18780]  }
0x163: {  	v1 =	vld.idx.msk [tilespmem:v1+s4+$0x0], $0xffff;
	_ =	sdelay $0x4  }
0x164: {  	[tilespmem:s28+$0x1A770] =	vst v1;
	v1 =	vld [tilespmem:s28+$0x18790];
	_ =	sdelay $0x1  }
0x165: {  	v0 =	vld.idx.msk [tilespmem:v0+s4+$0x0], $0xffff;
	_ =	sdelay $0x4  }
0x166: {  	[tilespmem:s28+$0x1A780] =	vst v0;
	v0 =	vld [tilespmem:s28+$0x187A0]  }
0x167: {  	v1 =	vld.idx.msk [tilespmem:v1+s4+$0x0], $0xffff;
	_ =	sdelay $0x4  }
0x168: {  	[tilespmem:s28+$0x1A790] =	vst v1;
	v1 =	vld [tilespmem:s28+$0x187B0];
	_ =	sdelay $0x1  }
0x169: {  	v0 =	vld.idx.msk [tilespmem:v0+s4+$0x0], $0xffff;
	_ =	sdelay $0x4  }
0x16a: {  	[tilespmem:s28+$0x1A7A0] =	vst v0;
	v0 =	vld [tilespmem:s28+$0x187C0]  }
0x16b: {  	v1 =	vld.idx.msk [tilespmem:v1+s4+$0x0], $0xffff;
	_ =	sdelay $0x4  }
0x16c: {  	[tilespmem:s28+$0x1A7B0] =	vst v1;
	v1 =	vld [tilespmem:s28+$0x187D0];
	_ =	sdelay $0x1  }
0x16d: {  	v0 =	vld.idx.msk [tilespmem:v0+s4+$0x0], $0xffff;
	_ =	sdelay $0x4  }
0x16e: {  	[tilespmem:s28+$0x1A7C0] =	vst v0;
	v0 =	vld [tilespmem:s28+$0x187E0]  }
0x16f: {  	v1 =	vld.idx.msk [tilespmem:v1+s4+$0x0], $0xffff;
	_ =	sdelay $0x4  }
0x170: {  	[tilespmem:s28+$0x1A7D0] =	vst v1;
	v1 =	vld [tilespmem:s28+$0x187F0];
	_ =	sdelay $0x1  }
0x171: {  	v0 =	vld.idx.msk [tilespmem:v0+s4+$0x0], $0xffff;
	_ =	sdelay $0x4  }
0x172: {  	[tilespmem:s28+$0x1A7E0] =	vst v0  }
0x173: {  	v0 =	vld.idx.msk [tilespmem:v1+s4+$0x0], $0xffff;
	_ =	sdelay $0x4  }
0x174: {  	[tilespmem:s28+$0x1A7F0] =	vst v0  }
0x175: {  	[hbm4b:s0+s16] =	stream.strided.scatter [tilespmem:s22], [sflag:$0x3], $0x1000, s17, s16, $0x38;
	[tilespmem:$0x1C700] =	vst v63  }
0x176: {  	p0 =	seq.s32 s29, $0x19;
	_ =	swait.ge [sflag:s23], $0x1000  }
0x177: {  	s15 =	simm.s32 @!p0 $0x400;
	s0 =	sadd.s32 @!p0 $0x10, s30;
	[sflag:s23] =	ssyncset.done $0x0  }
0x178: {  	s28 =	simm.s32 @!p0 $0x18700;
	s7 =	sshrl.u32 @!p0 s0, $0x1;
	[sflag:s23] =	ssyncadd.s32 $0xFFFFF000  }
0x179: {  	s0 =	sshll.u32 @!p0 s0, $0x6;
	s7 =	sand.u32 @!p0 $0x70, s7;
	_ =	swait.ge [sflag:s26], $0x1000  }
0x17a: {  	s0 =	sand.u32 @!p0 $0xFFFC000, s0;
	s7 =	sadd.s32 @!p0 s1, s7;
	[sflag:s26] =	ssyncset.done $0x0  }
0x17b: {  	s0 =	sadd.s32 @!p0 s0, s7;
	s7 =	simm.s32 @!p0 $0x80;
	[sflag:s26] =	ssyncadd.s32 $0xFFFFF000  }
0x17c: {  	[tilespmem:s28], [sflag:$0x1] =	stream.strided.gather @!p0 [hbm4b:s0+s7], $0x1000, s15, s7, $0x38;
	[tilespmem:$0x1C700] =	vst v63  }
0x17d: {  	s7 =	simm.s32 $0x0  }
0x17e: {  	v0 =	vld [tilespmem:s7+$0x19700];
	_ =	sdelay $0x5  }
0x17f: {  	v1 =	vld [tilespmem:s7+$0x19710];
	_ =	sdelay $0x1  }
0x180: {  	v0 =	vld.idx.msk [tilespmem:v0+s4+$0x0], $0xffff;
	_ =	sdelay $0x4  }
0x181: {  	[tilespmem:s7+$0x1B700] =	vst v0;
	v0 =	vld [tilespmem:s7+$0x19720]  }
0x182: {  	v1 =	vld.idx.msk [tilespmem:v1+s4+$0x0], $0xffff;
	_ =	sdelay $0x4  }
0x183: {  	[tilespmem:s7+$0x1B710] =	vst v1;
	v1 =	vld [tilespmem:s7+$0x19730];
	_ =	sdelay $0x1  }
0x184: {  	v0 =	vld.idx.msk [tilespmem:v0+s4+$0x0], $0xffff;
	_ =	sdelay $0x4  }
0x185: {  	[tilespmem:s7+$0x1B720] =	vst v0;
	v0 =	vld [tilespmem:s7+$0x19740]  }
0x186: {  	v1 =	vld.idx.msk [tilespmem:v1+s4+$0x0], $0xffff;
	_ =	sdelay $0x4  }
0x187: {  	[tilespmem:s7+$0x1B730] =	vst v1;
	v1 =	vld [tilespmem:s7+$0x19750];
	_ =	sdelay $0x1  }
0x188: {  	v0 =	vld.idx.msk [tilespmem:v0+s4+$0x0], $0xffff;
	_ =	sdelay $0x4  }
0x189: {  	[tilespmem:s7+$0x1B740] =	vst v0;
	v0 =	vld [tilespmem:s7+$0x19760]  }
0x18a: {  	v1 =	vld.idx.msk [tilespmem:v1+s4+$0x0], $0xffff;
	_ =	sdelay $0x4  }
0x18b: {  	[tilespmem:s7+$0x1B750] =	vst v1;
	v1 =	vld [tilespmem:s7+$0x19770];
	_ =	sdelay $0x1  }
0x18c: {  	v0 =	vld.idx.msk [tilespmem:v0+s4+$0x0], $0xffff;
	_ =	sdelay $0x4  }
0x18d: {  	[tilespmem:s7+$0x1B760] =	vst v0;
	v0 =	vld [tilespmem:s7+$0x19780]  }
0x18e: {  	v1 =	vld.idx.msk [tilespmem:v1+s4+$0x0], $0xffff;
	_ =	sdelay $0x4  }
0x18f: {  	[tilespmem:s7+$0x1B770] =	vst v1;
	v1 =	vld [tilespmem:s7+$0x19790];
	_ =	sdelay $0x1  }
0x190: {  	v0 =	vld.idx.msk [tilespmem:v0+s4+$0x0], $0xffff;
	_ =	sdelay $0x4  }
0x191: {  	[tilespmem:s7+$0x1B780] =	vst v0;
	v0 =	vld [tilespmem:s7+$0x197A0]  }
0x192: {  	v1 =	vld.idx.msk [tilespmem:v1+s4+$0x0], $0xffff;
	_ =	sdelay $0x4  }
0x193: {  	[tilespmem:s7+$0x1B790] =	vst v1;
	v1 =	vld [tilespmem:s7+$0x197B0];
	_ =	sdelay $0x1  }
0x194: {  	v0 =	vld.idx.msk [tilespmem:v0+s4+$0x0], $0xffff;
	_ =	sdelay $0x4  }
0x195: {  	[tilespmem:s7+$0x1B7A0] =	vst v0;
	v0 =	vld [tilespmem:s7+$0x197C0]  }
0x196: {  	v1 =	vld.idx.msk [tilespmem:v1+s4+$0x0], $0xffff;
	_ =	sdelay $0x4  }
0x197: {  	[tilespmem:s7+$0x1B7B0] =	vst v1;
	v1 =	vld [tilespmem:s7+$0x197D0];
	_ =	sdelay $0x1  }
0x198: {  	v0 =	vld.idx.msk [tilespmem:v0+s4+$0x0], $0xffff;
	_ =	sdelay $0x4  }
0x199: {  	v2 =	vld [tilespmem:s7+$0x197E0];
	[tilespmem:s7+$0x1B7C0] =	vst v0  }
0x19a: {  	v0 =	vld.idx.msk [tilespmem:v1+s4+$0x0], $0xffff;
	_ =	sdelay $0x4  }
0x19b: {  	[tilespmem:s7+$0x1B7D0] =	vst v0;
	v0 =	vld [tilespmem:s7+$0x197F0];
	_ =	sdelay $0x1  }
0x19c: {  	v1 =	vld.idx.msk [tilespmem:v2+s4+$0x0], $0xffff;
	_ =	sdelay $0x3  }
0x19d: {  	s0 =	sadd.s32 s31, s14;
	s28 =	simm.s32 $0x100;
	s15 =	simm.s32 $0x800  }
.LBB2_9:
0x19e: {  	p0 =	sne.s32 s15, $0x3C00;
	v2 =	vld [tilespmem:s28+$0x19700];
	[tilespmem:s7+$0x1B7E0] =	vst v1  }
0x19f: {  	v0 =	vld.idx.msk [tilespmem:v0+s4+$0x0], $0xffff;
	_ =	sdelay $0x5  }
0x1a0: {  	v1 =	vld [tilespmem:s28+$0x19710];
	[tilespmem:s7+$0x1B7F0] =	vst v0;
	s7 =	smov.u32 s28  }
0x1a1: {  	v0 =	vld.idx.msk [tilespmem:v2+s4+$0x0], $0xffff;
	_ =	sdelay $0x5  }
0x1a2: {  	[tilespmem:s7+$0x1B700] =	vst v0;
	v0 =	vld [tilespmem:s7+$0x19720]  }
0x1a3: {  	v1 =	vld.idx.msk [tilespmem:v1+s4+$0x0], $0xffff;
	_ =	sdelay $0x5  }
0x1a4: {  	[tilespmem:s7+$0x1B710] =	vst v1;
	v1 =	vld [tilespmem:s7+$0x19730]  }
0x1a5: {  	v0 =	vld.idx.msk [tilespmem:v0+s4+$0x0], $0xffff;
	_ =	sdelay $0x5  }
0x1a6: {  	[tilespmem:s7+$0x1B720] =	vst v0;
	v0 =	vld [tilespmem:s7+$0x19740]  }
0x1a7: {  	v1 =	vld.idx.msk [tilespmem:v1+s4+$0x0], $0xffff;
	_ =	sdelay $0x5  }
0x1a8: {  	[tilespmem:s7+$0x1B730] =	vst v1;
	v1 =	vld [tilespmem:s7+$0x19750]  }
0x1a9: {  	v0 =	vld.idx.msk [tilespmem:v0+s4+$0x0], $0xffff;
	_ =	sdelay $0x5  }
0x1aa: {  	[tilespmem:s7+$0x1B740] =	vst v0;
	v0 =	vld [tilespmem:s7+$0x19760]  }
0x1ab: {  	v1 =	vld.idx.msk [tilespmem:v1+s4+$0x0], $0xffff;
	_ =	sdelay $0x5  }
0x1ac: {  	[tilespmem:s7+$0x1B750] =	vst v1;
	v1 =	vld [tilespmem:s7+$0x19770]  }
0x1ad: {  	v0 =	vld.idx.msk [tilespmem:v0+s4+$0x0], $0xffff;
	_ =	sdelay $0x5  }
0x1ae: {  	[tilespmem:s7+$0x1B760] =	vst v0;
	v0 =	vld [tilespmem:s7+$0x19780]  }
0x1af: {  	v1 =	vld.idx.msk [tilespmem:v1+s4+$0x0], $0xffff;
	_ =	sdelay $0x5  }
0x1b0: {  	[tilespmem:s7+$0x1B770] =	vst v1;
	v1 =	vld [tilespmem:s7+$0x19790]  }
0x1b1: {  	v0 =	vld.idx.msk [tilespmem:v0+s4+$0x0], $0xffff;
	_ =	sdelay $0x5  }
0x1b2: {  	[tilespmem:s7+$0x1B780] =	vst v0;
	v0 =	vld [tilespmem:s7+$0x197A0]  }
0x1b3: {  	v1 =	vld.idx.msk [tilespmem:v1+s4+$0x0], $0xffff;
	_ =	sdelay $0x5  }
0x1b4: {  	[tilespmem:s7+$0x1B790] =	vst v1;
	v1 =	vld [tilespmem:s7+$0x197B0]  }
0x1b5: {  	v0 =	vld.idx.msk [tilespmem:v0+s4+$0x0], $0xffff;
	_ =	sdelay $0x5  }
0x1b6: {  	[tilespmem:s7+$0x1B7A0] =	vst v0;
	v0 =	vld [tilespmem:s7+$0x197C0]  }
0x1b7: {  	v1 =	vld.idx.msk [tilespmem:v1+s4+$0x0], $0xffff;
	_ =	sdelay $0x5  }
0x1b8: {  	[tilespmem:s7+$0x1B7B0] =	vst v1;
	v1 =	vld [tilespmem:s7+$0x197D0]  }
0x1b9: {  	v0 =	vld.idx.msk [tilespmem:v0+s4+$0x0], $0xffff;
	_ =	sdelay $0x5  }
0x1ba: {  	[tilespmem:s7+$0x1B7C0] =	vst v0;
	v2 =	vld [tilespmem:s7+$0x197E0]  }
0x1bb: {  	v0 =	vld.idx.msk [tilespmem:v1+s4+$0x0], $0xffff;
	_ =	sdelay $0x5  }
0x1bc: {  	[tilespmem:s7+$0x1B7D0] =	vst v0;
	v0 =	vld [tilespmem:s7+$0x197F0]  }
0x1bd: {  	v1 =	vld.idx.msk [tilespmem:v2+s4+$0x0], $0xffff  }
.Ltmp3:
0x1be: {  	(pc) =	sbr.rel @p0 .LBB2_9-.Ltmp3, $2  }
0x1bf: {  	_ =	sdelay $0x2  }
0x1c0: {  	s28 =	sshra.s32 s15, $0x2;
	s15 =	sadd.s32 $0x400, s15  }
0x1c1: {  	_ =	sdelay $0x1  }
0x1c2: {  	v2 =	vld [tilespmem:s28+$0x19700]  }
0x1c3: {  	[tilespmem:s7+$0x1B7E0] =	vst v1  }
0x1c4: {  	v0 =	vld.idx.msk [tilespmem:v0+s4+$0x0], $0xffff;
	_ =	sdelay $0x3  }
0x1c5: {  	v1 =	vld [tilespmem:s28+$0x19710]  }
0x1c6: {  	[tilespmem:s7+$0x1B7F0] =	vst v0  }
0x1c7: {  	v0 =	vld.idx.msk [tilespmem:v2+s4+$0x0], $0xffff;
	_ =	sdelay $0x3  }
0x1c8: {  	v50 =	vld [tilespmem:s28+$0x19720]  }
0x1c9: {  	[tilespmem:s28+$0x1B700] =	vst v0  }
0x1ca: {  	v1 =	vld.idx.msk [tilespmem:v1+s4+$0x0], $0xffff;
	_ =	sdelay $0x3  }
0x1cb: {  	v51 =	vld [tilespmem:s28+$0x19730]  }
0x1cc: {  	[tilespmem:s28+$0x1B710] =	vst v1  }
0x1cd: {  	v0 =	vld.idx.msk [tilespmem:v50+s4+$0x0], $0xffff;
	_ =	sdelay $0x3  }
0x1ce: {  	v52 =	vld [tilespmem:s28+$0x19740]  }
0x1cf: {  	[tilespmem:s28+$0x1B720] =	vst v0  }
0x1d0: {  	v1 =	vld.idx.msk [tilespmem:v51+s4+$0x0], $0xffff;
	_ =	sdelay $0x3  }
0x1d1: {  	v53 =	vld [tilespmem:s28+$0x19750]  }
0x1d2: {  	[tilespmem:s28+$0x1B730] =	vst v1  }
0x1d3: {  	v0 =	vld.idx.msk [tilespmem:v52+s4+$0x0], $0xffff;
	_ =	sdelay $0x3  }
0x1d4: {  	v54 =	vld [tilespmem:s28+$0x19760]  }
0x1d5: {  	[tilespmem:s28+$0x1B740] =	vst v0  }
0x1d6: {  	v1 =	vld.idx.msk [tilespmem:v53+s4+$0x0], $0xffff;
	_ =	sdelay $0x3  }
0x1d7: {  	v55 =	vld [tilespmem:s28+$0x19770]  }
0x1d8: {  	[tilespmem:s28+$0x1B750] =	vst v1  }
0x1d9: {  	v0 =	vld.idx.msk [tilespmem:v54+s4+$0x0], $0xffff;
	_ =	sdelay $0x3  }
0x1da: {  	v56 =	vld [tilespmem:s28+$0x19780]  }
0x1db: {  	[tilespmem:s28+$0x1B760] =	vst v0  }
0x1dc: {  	v1 =	vld.idx.msk [tilespmem:v55+s4+$0x0], $0xffff;
	_ =	sdelay $0x3  }
0x1dd: {  	v57 =	vld [tilespmem:s28+$0x19790]  }
0x1de: {  	[tilespmem:s28+$0x1B770] =	vst v1  }
0x1df: {  	v0 =	vld.idx.msk [tilespmem:v56+s4+$0x0], $0xffff;
	_ =	sdelay $0x3  }
0x1e0: {  	v58 =	vld [tilespmem:s28+$0x197A0]  }
0x1e1: {  	[tilespmem:s28+$0x1B780] =	vst v0  }
0x1e2: {  	v1 =	vld.idx.msk [tilespmem:v57+s4+$0x0], $0xffff;
	_ =	sdelay $0x3  }
0x1e3: {  	v59 =	vld [tilespmem:s28+$0x197B0]  }
0x1e4: {  	[tilespmem:s28+$0x1B790] =	vst v1  }
0x1e5: {  	v0 =	vld.idx.msk [tilespmem:v58+s4+$0x0], $0xffff;
	_ =	sdelay $0x3  }
0x1e6: {  	v60 =	vld [tilespmem:s28+$0x197C0]  }
0x1e7: {  	[tilespmem:s28+$0x1B7A0] =	vst v0  }
0x1e8: {  	v1 =	vld.idx.msk [tilespmem:v59+s4+$0x0], $0xffff;
	_ =	sdelay $0x3  }
0x1e9: {  	v61 =	vld [tilespmem:s28+$0x197D0]  }
0x1ea: {  	[tilespmem:s28+$0x1B7B0] =	vst v1  }
0x1eb: {  	v0 =	vld.idx.msk [tilespmem:v60+s4+$0x0], $0xffff;
	_ =	sdelay $0x3  }
0x1ec: {  	v62 =	vld [tilespmem:s28+$0x197E0]  }
0x1ed: {  	[tilespmem:s28+$0x1B7C0] =	vst v0  }
0x1ee: {  	v1 =	vld.idx.msk [tilespmem:v61+s4+$0x0], $0xffff;
	_ =	sdelay $0x3  }
0x1ef: {  	v63 =	vld [tilespmem:s28+$0x197F0]  }
0x1f0: {  	[tilespmem:s28+$0x1B7D0] =	vst v1  }
0x1f1: {  	v0 =	vld.idx.msk [tilespmem:v62+s4+$0x0], $0xffff;
	_ =	sdelay $0x4  }
0x1f2: {  	[tilespmem:s28+$0x1B7E0] =	vst v0  }
0x1f3: {  	s29 =	sadd.s32 $0x1, s29;
	v0 =	vld.idx.msk [tilespmem:v63+s4+$0x0], $0xffff  }
0x1f4: {  	p0 =	sne.s32 s29, $0x1A  }
.Ltmp4:
0x1f5: {  	_ = 	snop;
	(pc) =	sbr.rel @p0 .LBB2_2-.Ltmp4, $3  }
0x1f6: {  	_ =	sdelay $0x1  }
0x1f7: {  	[tilespmem:s28+$0x1B7F0] =	vst v0  }
0x1f8: {  	[hbm4b:s0+s16] =	stream.strided.scatter [tilespmem:s24], [sflag:$0x4], $0x1000, s17, s16, $0x38;
	[tilespmem:$0x1C700] =	vst v63  }
0x1f9: {  	_ =	swait.ge [sflag:s25], $0x1000  }
0x1fa: {  	[sflag:s25] =	ssyncset.done $0x0  }
0x1fb: {  	[sflag:s25] =	ssyncadd.s32 $0xFFFFF000  }
0x1fc: {  	_ =	swait.ge [sflag:s26], $0x1000  }
0x1fd: {  	s7 =	rddreg [dreg:$0x6]  }
0x1fe: {  	s0 =	rddreg [dreg:$0x5];
	s7 =	sadd.s32 $0x1, s7  }
0x1ff: {  	p0 =	sne.s32 s7, s0  }
.Ltmp5:
0x200: {  	_ = 	snop;
	(pc) =	sbr.rel @p0 .LBB2_1-.Ltmp5, $3  }
0x201: {  	_ =	sdelay $0x1  }
0x202: {  	[sflag:s26] =	ssyncset.done $0x0  }
0x203: {  	[sflag:s26] =	ssyncadd.s32 $0xFFFFF000  }
0x204: {  	_ =	sfence.sel $0x180000  }
0x205: {  	[bflag:$0x0] =	sbarrier.arrive $0xFFFF  }
0x206: {  	_ =	strace $0x90000047  }
0x207: {  	[bflag:$0x2] =	sbarrier.arrive $0xFFFF  }
0x208: {  	p0 =	sne.s32 s5, $0x0;
	s0 =	rddreg [dreg:$0x3]  }
0x209: {  	s0 =	sadd.s32 @!p0 $0x100000, s0  }
0x20a: {  	[sflag:s0] =	ssyncadd.tile.s32 @!p0 $0x1;
	_ =	shalt  }
.Lfunc_end2:
_tile_overlayer_lowered:
.L_overlay_start_2:
0x20b: {  	(tag) =	ssettag $0x2  }
0x20c: {  	s0 =	rddreg [dreg:$0x0];
	s2 =	stileid.u32  }
0x20d: {  	s1 =	rddreg [dreg:$0x1];
	p0 =	sne.s32 s2, $0x0  }
0x20e: {  	s3 =	rddreg [dreg:$0x2];
	[bflag:$0x3] =	sbarrier.arrive $0xFFFF;
	s2 =	simm.s32 @!p0 $0x1C05  }
0x20f: {  	[timem:s3], [sflag:s2] =	dma.local @!p0 [hbm:s0], s1  }
0x210: {  	s0 =	simm.s32 @!p0 $0x5  }
0x211: {  	_ =	swait.ge @!p0 [sflag:s0], s1  }
0x212: {  	s1 =	ssub.s32 @!p0 $0x0, s1;
	[sflag:s0] =	ssyncset.done @!p0 $0x0  }
0x213: {  	[sflag:s0] =	ssyncadd.s32 @!p0 s1  }
0x214: {  	[bflag:$0x3] =	sbarrier.arrive $0xFFFF  }
0x215: {  	_ =	shalt  }

</sc_bundles>
